<compile_context>
chip_gen: v7x
topology: tpu7x:2x2x1
jax: 0.10.2.dev20260603
libtpu: 0.0.44.dev20260713+nightly
codegen_flags: <defaults>
</compile_context>

<pallas_src>
import functools

import jax
import jax.numpy as jnp
from jax import lax
from jax.experimental import pallas as pl
from jax.experimental.pallas import tpu as pltpu
from jax.experimental.pallas import tpu_sc as plsc

NC = 2
NS = 16
NW = NC * NS
LANES = 16
NBUF = 8
TRB = 8192


def _make_pool(B, H, V, D):
    rows = B // NW
    mesh = plsc.VectorSubcoreMesh(core_axis_name="c", subcore_axis_name="s")

    @functools.partial(
        pl.kernel,
        out_type=jax.ShapeDtypeStruct((B, D), jnp.float32),
        mesh=mesh,
        compiler_params=pltpu.CompilerParams(
            use_tc_tiling_on_sc=False, needs_layout_passes=False
        ),
        scratch_types=[
            pltpu.VMEM((H, rows), jnp.int32),
            pltpu.VMEM((NBUF, rows, D), jnp.float32),
            pltpu.VMEM((rows,), jnp.int32),
            pltpu.SemaphoreType.DMA((NBUF,)),
            pltpu.SemaphoreType.DMA((NBUF,)),
            pltpu.VMEM_SHARED((NS * rows, D), jnp.float32),
        ],
    )
    def pool(xT_hbm, table_hbm, out_hbm, idx_v, bufs, dst_idx, gsem, ssem, acc):
        c = lax.axis_index("c")
        s = lax.axis_index("s")
        wid = c * NS + s
        gbase = wid * rows
        lbase = s * rows

        pltpu.sync_copy(xT_hbm.at[:, pl.ds(gbase, rows)], idx_v)

        @pl.loop(0, H)
        def _(j):
            for k in range(rows // LANES):
                v = idx_v[j, pl.ds(k * LANES, LANES)]
                cc = v & (TRB - 1)
                idx_v[j, pl.ds(k * LANES, LANES)] = (
                    (v - cc) + 2 * cc - jnp.where(cc < TRB // 2, 0, TRB - 1)
                )

        for k in range(rows // LANES):
            dst_idx[pl.ds(k * LANES, LANES)] = (
                lbase + k * LANES + lax.iota(jnp.int32, LANES)
            )

        for b in range(NBUF - 1):
            pltpu.async_copy(table_hbm.at[idx_v.at[1 + b]], bufs.at[b], gsem.at[b])

        pltpu.async_copy(
            table_hbm.at[idx_v.at[0]], bufs.at[NBUF - 1], gsem.at[NBUF - 1]
        ).wait()
        pltpu.sync_copy(bufs.at[NBUF - 1], acc.at[pl.ds(lbase, rows)])

        @pl.loop(1, H)
        def _(j):
            b = (j - 1) % NBUF
            pltpu.make_async_copy(
                table_hbm.at[idx_v.at[j]], bufs.at[b], gsem.at[b]
            ).wait()
            pltpu.async_copy(bufs.at[b], acc.at[dst_idx], ssem.at[b], add=True)
            bp = (j + NBUF - 2) % NBUF
            p = j + NBUF - 1

            @pl.when(jnp.logical_and(j >= 2, p <= H - 1))
            def _():
                pltpu.make_async_copy(
                    bufs.at[bp], acc.at[dst_idx], ssem.at[bp]
                ).wait()

            @pl.when(p <= H - 1)
            def _():
                pltpu.async_copy(
                    table_hbm.at[idx_v.at[p]], bufs.at[bp], gsem.at[bp]
                )

        for b in range(NBUF):
            pltpu.make_async_copy(bufs.at[b], acc.at[dst_idx], ssem.at[b]).wait()

        pltpu.sync_copy(acc.at[pl.ds(lbase, rows)], bufs.at[0])
        pltpu.sync_copy(bufs.at[0], out_hbm.at[pl.ds(gbase, rows)])

    return pool


def _tr_body(tin_ref, out_ref):
    v = tin_ref[...]
    t = jnp.swapaxes(v, 0, 1)
    bc = t.shape[0]
    out_ref[...] = jnp.concatenate([t[: bc // 2], t[bc // 2 :]], axis=1)


def _transpose_to_linear(tableT, V, D):
    BC = TRB
    grid = ((V + BC - 1) // BC,)
    vp = grid[0] * BC
    out = pl.pallas_call(
        _tr_body,
        grid=grid,
        in_specs=[pl.BlockSpec((D, BC), lambda i: (0, i))],
        out_specs=pl.BlockSpec((BC // 2, 2 * D), lambda i: (i, 0)),
        out_shape=jax.ShapeDtypeStruct((vp // 2, 2 * D), jnp.float32),
    )(tableT)
    return out, vp


def _mlp_body(scale, n_cls, pool_ref, w1_ref, b1_ref, w2_ref, b2_ref, out_ref):
    p = pool_ref[...] * scale
    h = lax.dot_general(
        p, w1_ref[...], (((1,), (1,)), ((), ())),
        preferred_element_type=jnp.float32,
    ) + b1_ref[...]
    h = jnp.maximum(h, 0.0)
    o = lax.dot_general(
        h, w2_ref[...], (((1,), (1,)), ((), ())),
        preferred_element_type=jnp.float32,
    ) + b2_ref[...]
    out_ref[...] = jnp.swapaxes(o, 0, 1)[:n_cls, :]


def kernel(x, emb_table, W1, b1, W2, b2):
    B, H = x.shape
    V, D = emb_table.shape
    HID = W1.shape[0]
    C = W2.shape[0]
    CP = ((C + 127) // 128) * 128

    emb_lin, vp = _transpose_to_linear(emb_table.T, V, D)
    pooled_sum = _make_pool(B, H, vp, D)(
        jnp.asarray(x, jnp.int32).T, emb_lin.reshape(vp, D)
    )

    W2p = jnp.pad(W2, ((0, CP - C), (0, 0)))
    b2p = jnp.pad(b2, (0, CP - C)).reshape(1, CP)
    b1r = b1.reshape(1, HID)

    BB = 2048
    out = pl.pallas_call(
        functools.partial(_mlp_body, 1.0 / H, C),
        grid=(B // BB,),
        in_specs=[
            pl.BlockSpec((BB, D), lambda i: (i, 0)),
            pl.BlockSpec((HID, D), lambda i: (0, 0)),
            pl.BlockSpec((1, HID), lambda i: (0, 0)),
            pl.BlockSpec((CP, HID), lambda i: (0, 0)),
            pl.BlockSpec((1, CP), lambda i: (0, 0)),
        ],
        out_specs=pl.BlockSpec((C, BB), lambda i: (0, i)),
        out_shape=jax.ShapeDtypeStruct((C, B), jnp.float32),
    )(pooled_sum, W1, b1r, W2p, b2p)

    return out.T

# --- scband reference (transcript-rebuilt; emitter-appended) ---
"""Pipeline reference for scband-expense-classifier-73332271612314 (READ-ONLY COPY).

The authoritative reference and input builder live on the scoring server;
editing this copy changes nothing except your own understanding.
"""

import jax, jax.numpy as jnp
import numpy as np

VOCAB_SIZE = 100000
EMBED_DIM = 64
HIDDEN = 64
NUM_CLASSES = 100
BATCH = 4096
HIST = 50


def setup_inputs(seed: int = 0) -> dict:
    key = jax.random.key(seed)
    k_idx, k_emb, k_w1, k_b1, k_w2, k_b2 = jax.random.split(key, 6)
    x = jax.random.randint(k_idx, (BATCH, HIST), 0, VOCAB_SIZE, dtype=jnp.int64 if jax.config.jax_enable_x64 else jnp.int32).astype(jnp.int32)
    emb_table = jax.random.normal(k_emb, (VOCAB_SIZE, EMBED_DIM), dtype=jnp.float32) * 0.02
    W1 = jax.random.normal(k_w1, (HIDDEN, EMBED_DIM), dtype=jnp.float32) * (1.0 / np.sqrt(EMBED_DIM))
    b1 = jax.random.normal(k_b1, (HIDDEN,), dtype=jnp.float32) * 0.01
    W2 = jax.random.normal(k_w2, (NUM_CLASSES, HIDDEN), dtype=jnp.float32) * (1.0 / np.sqrt(HIDDEN))
    b2 = jax.random.normal(k_b2, (NUM_CLASSES,), dtype=jnp.float32) * 0.01
    return {"x": x, "emb_table": emb_table, "W1": W1, "b1": b1, "W2": W2, "b2": b2}


def reference(x, emb_table, W1, b1, W2, b2):
    # embedding lookup: [B, L, D]
    emb = jnp.take(emb_table, x, axis=0)
    # mean over sequence dim
    pooled = jnp.mean(emb, axis=1)  # [B, D]
    # fc1 + relu (torch Linear: y = x @ W.T + b)
    h = jax.nn.relu(pooled @ W1.T + b1)
    # fc2
    out = h @ W2.T + b2
    return out

if __name__ == "__main__":
    import jax
    _d = setup_inputs()
    print(jax.jit(kernel)(*tuple(_d.values())))

</pallas_src>

<mosaic_0001>
#map = affine_map<(d0, d1) -> (0, 0)>
module attributes {stable_mosaic.version = 14 : i64} {
  func.func @pool(%arg0: i32, %arg1: i32, %arg2: memref<50x4096xi32, #tpu.memory_space<hbm>>, %arg3: memref<106496x64xf32, #tpu.memory_space<hbm>>, %arg4: memref<4096x64xf32, #tpu.memory_space<hbm>>, %arg5: memref<50x128xi32, #tpu.memory_space<vmem>>, %arg6: memref<8x128x64xf32, #tpu.memory_space<vmem>>, %arg7: memref<128xi32, #tpu.memory_space<vmem>>, %arg8: memref<8x!tpu.dma_semaphore, #tpu.memory_space<semaphore_mem>>, %arg9: memref<8x!tpu.dma_semaphore, #tpu.memory_space<semaphore_mem>>, %arg10: memref<2048x64xf32, #tpu.memory_space<vmem_shared>>) attributes {dimension_semantics = [#tpu.dimension_semantics<core_parallel>, #tpu.dimension_semantics<subcore_parallel>], iteration_bounds = array<i64: 2, 16>, scalar_prefetch = 0 : i64, scratch_operands = 6 : i64, tpu.core_type = #tpu.core_type<sc_vector_subcore>, window_params = [{transform_indices = #map}, {transform_indices = #map}, {transform_indices = #map}]} {
    %mul3A = arith.constant 16 : i32
    %mul3A_0 = arith.muli %arg0, %mul3A : i32
    %add3A = arith.addi %mul3A_0, %arg1 : i32
    %mul3A_1 = arith.constant 128 : i32
    %mul3A_2 = arith.muli %add3A, %mul3A_1 : i32
    %mul3A_3 = arith.constant 128 : i32
    %mul3A_4 = arith.muli %arg1, %mul3A_3 : i32
    "tpu.region"() ({
      %run_scoped3A_291 = tpu.sem_alloc : memref<!tpu.dma_semaphore, #tpu.memory_space<semaphore_mem>>
      %dma_start3A_292 = arith.constant 0 : i32
      %dma_start3A_293 = tpu.memref_slice %arg2[%dma_start3A_292, %mul3A_2] : memref<50x4096xi32, #tpu.memory_space<hbm>> -> memref<50x128xi32, #tpu.memory_space<hbm>>
      %dma_start3A_294 = arith.constant 0 : i32
      %dma_start3A_295 = tpu.memref_slice %arg2[%dma_start3A_294, %mul3A_2] : memref<50x4096xi32, #tpu.memory_space<hbm>> -> memref<50x128xi32, #tpu.memory_space<hbm>>
      tpu.enqueue_dma source(%dma_start3A_295 : memref<50x128xi32, #tpu.memory_space<hbm>>) target(%arg5 : memref<50x128xi32, #tpu.memory_space<vmem>>) target_semaphore(%run_scoped3A_291 : memref<!tpu.dma_semaphore, #tpu.memory_space<semaphore_mem>>)
      %dma_wait3A_296 = arith.constant 0 : i32
      %dma_wait3A_297 = tpu.memref_slice %arg2[%dma_wait3A_296, %mul3A_2] : memref<50x4096xi32, #tpu.memory_space<hbm>> -> memref<50x128xi32, #tpu.memory_space<hbm>>
      %dma_wait3A_298 = arith.constant 0 : i32
      %dma_wait3A_299 = tpu.memref_slice %arg2[%dma_wait3A_298, %mul3A_2] : memref<50x4096xi32, #tpu.memory_space<hbm>> -> memref<50x128xi32, #tpu.memory_space<hbm>>
      tpu.wait_dma2 semaphore(%run_scoped3A_291 : memref<!tpu.dma_semaphore, #tpu.memory_space<semaphore_mem>>) src(%dma_wait3A_299 : memref<50x128xi32, #tpu.memory_space<hbm>>) dst(%arg5 : memref<50x128xi32, #tpu.memory_space<vmem>>)
      tpu.yield
    }) : () -> ()
    %scan3A = arith.constant 0 : i32
    %scan3A_5 = arith.constant 50 : i32
    %scan3A_6 = arith.addi %scan3A, %scan3A_5 : i32
    %scan3A_7 = arith.constant 1 : i32
    scf.for %scan3A_291 = %scan3A to %scan3A_6 step %scan3A_7  : i32 {
      %mul3A_292 = arith.constant 1 : i32
      %mul3A_293 = arith.muli %scan3A_291, %mul3A_292 : i32
      %add3A_294 = arith.constant 0 : i32
      %add3A_295 = arith.addi %add3A_294, %mul3A_293 : i32
      %get3A = arith.index_cast %add3A_295 : i32 to index
      %get3A_296 = arith.constant 0 : index
      %get3A_297 = tpu.vector_load %arg5[%get3A, %get3A_296] {strides = array<i32>} : memref<50x128xi32, #tpu.memory_space<vmem>>, vector<16xi32>,
      %and3A = arith.constant 8191 : i32
      %and3A_298 = vector.broadcast %and3A : i32 to vector<16xi32>
      %and3A_299 = arith.andi %get3A_297, %and3A_298 : vector<16xi32>
      %sub3A = arith.subi %get3A_297, %and3A_299 : vector<16xi32>
      %mul3A_300 = arith.constant 2 : i32
      %mul3A_301 = vector.broadcast %mul3A_300 : i32 to vector<16xi32>
      %mul3A_302 = arith.muli %mul3A_301, %and3A_299 : vector<16xi32>
      %add3A_303 = arith.addi %sub3A, %mul3A_302 : vector<16xi32>
      %lt3A = arith.constant 4096 : i32
      %lt3A_304 = vector.broadcast %lt3A : i32 to vector<16xi32>
      %lt3A_305 = arith.cmpi slt, %and3A_299, %lt3A_304 : vector<16xi32>
      %jit3A = arith.constant 0 : i32
      %jit3A_306 = arith.constant 8191 : i32
      %broadcast_in_dim3A = vector.broadcast %jit3A : i32 to vector<16xi32>
      %broadcast_in_dim3A_307 = vector.broadcast %jit3A_306 : i32 to vector<16xi32>
      %select_n3A = arith.select %lt3A_305, %broadcast_in_dim3A, %broadcast_in_dim3A_307 : vector<16xi1>, vector<16xi32>
      %sub3A_308 = arith.subi %add3A_303, %select_n3A : vector<16xi32>
      %swap3A_309 = arith.index_cast %add3A_295 : i32 to index
      %swap3A_310 = arith.constant 0 : index
      %swap3A_311 = tpu.vector_load %arg5[%swap3A_309, %swap3A_310] {strides = array<i32>} : memref<50x128xi32, #tpu.memory_space<vmem>>, vector<16xi32>,
      tpu.vector_store %arg5[%swap3A_309, %swap3A_310], %sub3A_308 {strides = array<i32>} : memref<50x128xi32, #tpu.memory_space<vmem>>, vector<16xi32>,
      %get3A_312 = arith.index_cast %add3A_295 : i32 to index
      %get3A_313 = arith.constant 16 : index
      %get3A_314 = tpu.vector_load %arg5[%get3A_312, %get3A_313] {strides = array<i32>} : memref<50x128xi32, #tpu.memory_space<vmem>>, vector<16xi32>,
      %and3A_315 = arith.constant 8191 : i32
      %and3A_316 = vector.broadcast %and3A_315 : i32 to vector<16xi32>
      %and3A_317 = arith.andi %get3A_314, %and3A_316 : vector<16xi32>
      %sub3A_318 = arith.subi %get3A_314, %and3A_317 : vector<16xi32>
      %mul3A_319 = arith.constant 2 : i32
      %mul3A_320 = vector.broadcast %mul3A_319 : i32 to vector<16xi32>
      %mul3A_321 = arith.muli %mul3A_320, %and3A_317 : vector<16xi32>
      %add3A_322 = arith.addi %sub3A_318, %mul3A_321 : vector<16xi32>
      %lt3A_323 = arith.constant 4096 : i32
      %lt3A_324 = vector.broadcast %lt3A_323 : i32 to vector<16xi32>
      %lt3A_325 = arith.cmpi slt, %and3A_317, %lt3A_324 : vector<16xi32>
      %jit3A_326 = arith.constant 0 : i32
      %jit3A_327 = arith.constant 8191 : i32
      %broadcast_in_dim3A_328 = vector.broadcast %jit3A_326 : i32 to vector<16xi32>
      %broadcast_in_dim3A_329 = vector.broadcast %jit3A_327 : i32 to vector<16xi32>
      %select_n3A_330 = arith.select %lt3A_325, %broadcast_in_dim3A_328, %broadcast_in_dim3A_329 : vector<16xi1>, vector<16xi32>
      %sub3A_331 = arith.subi %add3A_322, %select_n3A_330 : vector<16xi32>
      %swap3A_332 = arith.index_cast %add3A_295 : i32 to index
      %swap3A_333 = arith.constant 16 : index
      %swap3A_334 = tpu.vector_load %arg5[%swap3A_332, %swap3A_333] {strides = array<i32>} : memref<50x128xi32, #tpu.memory_space<vmem>>, vector<16xi32>,
      tpu.vector_store %arg5[%swap3A_332, %swap3A_333], %sub3A_331 {strides = array<i32>} : memref<50x128xi32, #tpu.memory_space<vmem>>, vector<16xi32>,
      %get3A_335 = arith.index_cast %add3A_295 : i32 to index
      %get3A_336 = arith.constant 32 : index
      %get3A_337 = tpu.vector_load %arg5[%get3A_335, %get3A_336] {strides = array<i32>} : memref<50x128xi32, #tpu.memory_space<vmem>>, vector<16xi32>,
      %and3A_338 = arith.constant 8191 : i32
      %and3A_339 = vector.broadcast %and3A_338 : i32 to vector<16xi32>
      %and3A_340 = arith.andi %get3A_337, %and3A_339 : vector<16xi32>
      %sub3A_341 = arith.subi %get3A_337, %and3A_340 : vector<16xi32>
      %mul3A_342 = arith.constant 2 : i32
      %mul3A_343 = vector.broadcast %mul3A_342 : i32 to vector<16xi32>
      %mul3A_344 = arith.muli %mul3A_343, %and3A_340 : vector<16xi32>
      %add3A_345 = arith.addi %sub3A_341, %mul3A_344 : vector<16xi32>
      %lt3A_346 = arith.constant 4096 : i32
      %lt3A_347 = vector.broadcast %lt3A_346 : i32 to vector<16xi32>
      %lt3A_348 = arith.cmpi slt, %and3A_340, %lt3A_347 : vector<16xi32>
      %jit3A_349 = arith.constant 0 : i32
      %jit3A_350 = arith.constant 8191 : i32
      %broadcast_in_dim3A_351 = vector.broadcast %jit3A_349 : i32 to vector<16xi32>
      %broadcast_in_dim3A_352 = vector.broadcast %jit3A_350 : i32 to vector<16xi32>
      %select_n3A_353 = arith.select %lt3A_348, %broadcast_in_dim3A_351, %broadcast_in_dim3A_352 : vector<16xi1>, vector<16xi32>
      %sub3A_354 = arith.subi %add3A_345, %select_n3A_353 : vector<16xi32>
      %swap3A_355 = arith.index_cast %add3A_295 : i32 to index
      %swap3A_356 = arith.constant 32 : index
      %swap3A_357 = tpu.vector_load %arg5[%swap3A_355, %swap3A_356] {strides = array<i32>} : memref<50x128xi32, #tpu.memory_space<vmem>>, vector<16xi32>,
      tpu.vector_store %arg5[%swap3A_355, %swap3A_356], %sub3A_354 {strides = array<i32>} : memref<50x128xi32, #tpu.memory_space<vmem>>, vector<16xi32>,
      %get3A_358 = arith.index_cast %add3A_295 : i32 to index
      %get3A_359 = arith.constant 48 : index
      %get3A_360 = tpu.vector_load %arg5[%get3A_358, %get3A_359] {strides = array<i32>} : memref<50x128xi32, #tpu.memory_space<vmem>>, vector<16xi32>,
      %and3A_361 = arith.constant 8191 : i32
      %and3A_362 = vector.broadcast %and3A_361 : i32 to vector<16xi32>
      %and3A_363 = arith.andi %get3A_360, %and3A_362 : vector<16xi32>
      %sub3A_364 = arith.subi %get3A_360, %and3A_363 : vector<16xi32>
      %mul3A_365 = arith.constant 2 : i32
      %mul3A_366 = vector.broadcast %mul3A_365 : i32 to vector<16xi32>
      %mul3A_367 = arith.muli %mul3A_366, %and3A_363 : vector<16xi32>
      %add3A_368 = arith.addi %sub3A_364, %mul3A_367 : vector<16xi32>
      %lt3A_369 = arith.constant 4096 : i32
      %lt3A_370 = vector.broadcast %lt3A_369 : i32 to vector<16xi32>
      %lt3A_371 = arith.cmpi slt, %and3A_363, %lt3A_370 : vector<16xi32>
      %jit3A_372 = arith.constant 0 : i32
      %jit3A_373 = arith.constant 8191 : i32
      %broadcast_in_dim3A_374 = vector.broadcast %jit3A_372 : i32 to vector<16xi32>
      %broadcast_in_dim3A_375 = vector.broadcast %jit3A_373 : i32 to vector<16xi32>
      %select_n3A_376 = arith.select %lt3A_371, %broadcast_in_dim3A_374, %broadcast_in_dim3A_375 : vector<16xi1>, vector<16xi32>
      %sub3A_377 = arith.subi %add3A_368, %select_n3A_376 : vector<16xi32>
      %swap3A_378 = arith.index_cast %add3A_295 : i32 to index
      %swap3A_379 = arith.constant 48 : index
      %swap3A_380 = tpu.vector_load %arg5[%swap3A_378, %swap3A_379] {strides = array<i32>} : memref<50x128xi32, #tpu.memory_space<vmem>>, vector<16xi32>,
      tpu.vector_store %arg5[%swap3A_378, %swap3A_379], %sub3A_377 {strides = array<i32>} : memref<50x128xi32, #tpu.memory_space<vmem>>, vector<16xi32>,
      %get3A_381 = arith.index_cast %add3A_295 : i32 to index
      %get3A_382 = arith.constant 64 : index
      %get3A_383 = tpu.vector_load %arg5[%get3A_381, %get3A_382] {strides = array<i32>} : memref<50x128xi32, #tpu.memory_space<vmem>>, vector<16xi32>,
      %and3A_384 = arith.constant 8191 : i32
      %and3A_385 = vector.broadcast %and3A_384 : i32 to vector<16xi32>
      %and3A_386 = arith.andi %get3A_383, %and3A_385 : vector<16xi32>
      %sub3A_387 = arith.subi %get3A_383, %and3A_386 : vector<16xi32>
      %mul3A_388 = arith.constant 2 : i32
      %mul3A_389 = vector.broadcast %mul3A_388 : i32 to vector<16xi32>
      %mul3A_390 = arith.muli %mul3A_389, %and3A_386 : vector<16xi32>
      %add3A_391 = arith.addi %sub3A_387, %mul3A_390 : vector<16xi32>
      %lt3A_392 = arith.constant 4096 : i32
      %lt3A_393 = vector.broadcast %lt3A_392 : i32 to vector<16xi32>
      %lt3A_394 = arith.cmpi slt, %and3A_386, %lt3A_393 : vector<16xi32>
      %jit3A_395 = arith.constant 0 : i32
      %jit3A_396 = arith.constant 8191 : i32
      %broadcast_in_dim3A_397 = vector.broadcast %jit3A_395 : i32 to vector<16xi32>
      %broadcast_in_dim3A_398 = vector.broadcast %jit3A_396 : i32 to vector<16xi32>
      %select_n3A_399 = arith.select %lt3A_394, %broadcast_in_dim3A_397, %broadcast_in_dim3A_398 : vector<16xi1>, vector<16xi32>
      %sub3A_400 = arith.subi %add3A_391, %select_n3A_399 : vector<16xi32>
      %swap3A_401 = arith.index_cast %add3A_295 : i32 to index
      %swap3A_402 = arith.constant 64 : index
      %swap3A_403 = tpu.vector_load %arg5[%swap3A_401, %swap3A_402] {strides = array<i32>} : memref<50x128xi32, #tpu.memory_space<vmem>>, vector<16xi32>,
      tpu.vector_store %arg5[%swap3A_401, %swap3A_402], %sub3A_400 {strides = array<i32>} : memref<50x128xi32, #tpu.memory_space<vmem>>, vector<16xi32>,
      %get3A_404 = arith.index_cast %add3A_295 : i32 to index
      %get3A_405 = arith.constant 80 : index
      %get3A_406 = tpu.vector_load %arg5[%get3A_404, %get3A_405] {strides = array<i32>} : memref<50x128xi32, #tpu.memory_space<vmem>>, vector<16xi32>,
      %and3A_407 = arith.constant 8191 : i32
      %and3A_408 = vector.broadcast %and3A_407 : i32 to vector<16xi32>
      %and3A_409 = arith.andi %get3A_406, %and3A_408 : vector<16xi32>
      %sub3A_410 = arith.subi %get3A_406, %and3A_409 : vector<16xi32>
      %mul3A_411 = arith.constant 2 : i32
      %mul3A_412 = vector.broadcast %mul3A_411 : i32 to vector<16xi32>
      %mul3A_413 = arith.muli %mul3A_412, %and3A_409 : vector<16xi32>
      %add3A_414 = arith.addi %sub3A_410, %mul3A_413 : vector<16xi32>
      %lt3A_415 = arith.constant 4096 : i32
      %lt3A_416 = vector.broadcast %lt3A_415 : i32 to vector<16xi32>
      %lt3A_417 = arith.cmpi slt, %and3A_409, %lt3A_416 : vector<16xi32>
      %jit3A_418 = arith.constant 0 : i32
      %jit3A_419 = arith.constant 8191 : i32
      %broadcast_in_dim3A_420 = vector.broadcast %jit3A_418 : i32 to vector<16xi32>
      %broadcast_in_dim3A_421 = vector.broadcast %jit3A_419 : i32 to vector<16xi32>
      %select_n3A_422 = arith.select %lt3A_417, %broadcast_in_dim3A_420, %broadcast_in_dim3A_421 : vector<16xi1>, vector<16xi32>
      %sub3A_423 = arith.subi %add3A_414, %select_n3A_422 : vector<16xi32>
      %swap3A_424 = arith.index_cast %add3A_295 : i32 to index
      %swap3A_425 = arith.constant 80 : index
      %swap3A_426 = tpu.vector_load %arg5[%swap3A_424, %swap3A_425] {strides = array<i32>} : memref<50x128xi32, #tpu.memory_space<vmem>>, vector<16xi32>,
      tpu.vector_store %arg5[%swap3A_424, %swap3A_425], %sub3A_423 {strides = array<i32>} : memref<50x128xi32, #tpu.memory_space<vmem>>, vector<16xi32>,
      %get3A_427 = arith.index_cast %add3A_295 : i32 to index
      %get3A_428 = arith.constant 96 : index
      %get3A_429 = tpu.vector_load %arg5[%get3A_427, %get3A_428] {strides = array<i32>} : memref<50x128xi32, #tpu.memory_space<vmem>>, vector<16xi32>,
      %and3A_430 = arith.constant 8191 : i32
      %and3A_431 = vector.broadcast %and3A_430 : i32 to vector<16xi32>
      %and3A_432 = arith.andi %get3A_429, %and3A_431 : vector<16xi32>
      %sub3A_433 = arith.subi %get3A_429, %and3A_432 : vector<16xi32>
      %mul3A_434 = arith.constant 2 : i32
      %mul3A_435 = vector.broadcast %mul3A_434 : i32 to vector<16xi32>
      %mul3A_436 = arith.muli %mul3A_435, %and3A_432 : vector<16xi32>
      %add3A_437 = arith.addi %sub3A_433, %mul3A_436 : vector<16xi32>
      %lt3A_438 = arith.constant 4096 : i32
      %lt3A_439 = vector.broadcast %lt3A_438 : i32 to vector<16xi32>
      %lt3A_440 = arith.cmpi slt, %and3A_432, %lt3A_439 : vector<16xi32>
      %jit3A_441 = arith.constant 0 : i32
      %jit3A_442 = arith.constant 8191 : i32
      %broadcast_in_dim3A_443 = vector.broadcast %jit3A_441 : i32 to vector<16xi32>
      %broadcast_in_dim3A_444 = vector.broadcast %jit3A_442 : i32 to vector<16xi32>
      %select_n3A_445 = arith.select %lt3A_440, %broadcast_in_dim3A_443, %broadcast_in_dim3A_444 : vector<16xi1>, vector<16xi32>
      %sub3A_446 = arith.subi %add3A_437, %select_n3A_445 : vector<16xi32>
      %swap3A_447 = arith.index_cast %add3A_295 : i32 to index
      %swap3A_448 = arith.constant 96 : index
      %swap3A_449 = tpu.vector_load %arg5[%swap3A_447, %swap3A_448] {strides = array<i32>} : memref<50x128xi32, #tpu.memory_space<vmem>>, vector<16xi32>,
      tpu.vector_store %arg5[%swap3A_447, %swap3A_448], %sub3A_446 {strides = array<i32>} : memref<50x128xi32, #tpu.memory_space<vmem>>, vector<16xi32>,
      %get3A_450 = arith.index_cast %add3A_295 : i32 to index
      %get3A_451 = arith.constant 112 : index
      %get3A_452 = tpu.vector_load %arg5[%get3A_450, %get3A_451] {strides = array<i32>} : memref<50x128xi32, #tpu.memory_space<vmem>>, vector<16xi32>,
      %and3A_453 = arith.constant 8191 : i32
      %and3A_454 = vector.broadcast %and3A_453 : i32 to vector<16xi32>
      %and3A_455 = arith.andi %get3A_452, %and3A_454 : vector<16xi32>
      %sub3A_456 = arith.subi %get3A_452, %and3A_455 : vector<16xi32>
      %mul3A_457 = arith.constant 2 : i32
      %mul3A_458 = vector.broadcast %mul3A_457 : i32 to vector<16xi32>
      %mul3A_459 = arith.muli %mul3A_458, %and3A_455 : vector<16xi32>
      %add3A_460 = arith.addi %sub3A_456, %mul3A_459 : vector<16xi32>
      %lt3A_461 = arith.constant 4096 : i32
      %lt3A_462 = vector.broadcast %lt3A_461 : i32 to vector<16xi32>
      %lt3A_463 = arith.cmpi slt, %and3A_455, %lt3A_462 : vector<16xi32>
      %jit3A_464 = arith.constant 0 : i32
      %jit3A_465 = arith.constant 8191 : i32
      %broadcast_in_dim3A_466 = vector.broadcast %jit3A_464 : i32 to vector<16xi32>
      %broadcast_in_dim3A_467 = vector.broadcast %jit3A_465 : i32 to vector<16xi32>
      %select_n3A_468 = arith.select %lt3A_463, %broadcast_in_dim3A_466, %broadcast_in_dim3A_467 : vector<16xi1>, vector<16xi32>
      %sub3A_469 = arith.subi %add3A_460, %select_n3A_468 : vector<16xi32>
      %swap3A_470 = arith.index_cast %add3A_295 : i32 to index
      %swap3A_471 = arith.constant 112 : index
      %swap3A_472 = tpu.vector_load %arg5[%swap3A_470, %swap3A_471] {strides = array<i32>} : memref<50x128xi32, #tpu.memory_space<vmem>>, vector<16xi32>,
      tpu.vector_store %arg5[%swap3A_470, %swap3A_471], %sub3A_469 {strides = array<i32>} : memref<50x128xi32, #tpu.memory_space<vmem>>, vector<16xi32>,
    }
    %scan3A_8 = arith.constant 50 : i32
    %add3A_9 = arith.constant 0 : i32
    %add3A_10 = arith.addi %mul3A_4, %add3A_9 : i32
    %iota3A = tpu.iota {dimensions = array<i32: 0>} : vector<16xi32>
    %add3A_11 = vector.broadcast %add3A_10 : i32 to vector<16xi32>
    %add3A_12 = arith.addi %add3A_11, %iota3A : vector<16xi32>
    %swap3A = arith.constant 0 : index
    %swap3A_13 = tpu.vector_load %arg7[%swap3A] {strides = array<i32>} : memref<128xi32, #tpu.memory_space<vmem>>, vector<16xi32>,
    tpu.vector_store %arg7[%swap3A], %add3A_12 {strides = array<i32>} : memref<128xi32, #tpu.memory_space<vmem>>, vector<16xi32>,
    %add3A_14 = arith.constant 16 : i32
    %add3A_15 = arith.addi %mul3A_4, %add3A_14 : i32
    %iota3A_16 = tpu.iota {dimensions = array<i32: 0>} : vector<16xi32>
    %add3A_17 = vector.broadcast %add3A_15 : i32 to vector<16xi32>
    %add3A_18 = arith.addi %add3A_17, %iota3A_16 : vector<16xi32>
    %swap3A_19 = arith.constant 16 : index
    %swap3A_20 = tpu.vector_load %arg7[%swap3A_19] {strides = array<i32>} : memref<128xi32, #tpu.memory_space<vmem>>, vector<16xi32>,
    tpu.vector_store %arg7[%swap3A_19], %add3A_18 {strides = array<i32>} : memref<128xi32, #tpu.memory_space<vmem>>, vector<16xi32>,
    %add3A_21 = arith.constant 32 : i32
    %add3A_22 = arith.addi %mul3A_4, %add3A_21 : i32
    %iota3A_23 = tpu.iota {dimensions = array<i32: 0>} : vector<16xi32>
    %add3A_24 = vector.broadcast %add3A_22 : i32 to vector<16xi32>
    %add3A_25 = arith.addi %add3A_24, %iota3A_23 : vector<16xi32>
    %swap3A_26 = arith.constant 32 : index
    %swap3A_27 = tpu.vector_load %arg7[%swap3A_26] {strides = array<i32>} : memref<128xi32, #tpu.memory_space<vmem>>, vector<16xi32>,
    tpu.vector_store %arg7[%swap3A_26], %add3A_25 {strides = array<i32>} : memref<128xi32, #tpu.memory_space<vmem>>, vector<16xi32>,
    %add3A_28 = arith.constant 48 : i32
    %add3A_29 = arith.addi %mul3A_4, %add3A_28 : i32
    %iota3A_30 = tpu.iota {dimensions = array<i32: 0>} : vector<16xi32>
    %add3A_31 = vector.broadcast %add3A_29 : i32 to vector<16xi32>
    %add3A_32 = arith.addi %add3A_31, %iota3A_30 : vector<16xi32>
    %swap3A_33 = arith.constant 48 : index
    %swap3A_34 = tpu.vector_load %arg7[%swap3A_33] {strides = array<i32>} : memref<128xi32, #tpu.memory_space<vmem>>, vector<16xi32>,
    tpu.vector_store %arg7[%swap3A_33], %add3A_32 {strides = array<i32>} : memref<128xi32, #tpu.memory_space<vmem>>, vector<16xi32>,
    %add3A_35 = arith.constant 64 : i32
    %add3A_36 = arith.addi %mul3A_4, %add3A_35 : i32
    %iota3A_37 = tpu.iota {dimensions = array<i32: 0>} : vector<16xi32>
    %add3A_38 = vector.broadcast %add3A_36 : i32 to vector<16xi32>
    %add3A_39 = arith.addi %add3A_38, %iota3A_37 : vector<16xi32>
    %swap3A_40 = arith.constant 64 : index
    %swap3A_41 = tpu.vector_load %arg7[%swap3A_40] {strides = array<i32>} : memref<128xi32, #tpu.memory_space<vmem>>, vector<16xi32>,
    tpu.vector_store %arg7[%swap3A_40], %add3A_39 {strides = array<i32>} : memref<128xi32, #tpu.memory_space<vmem>>, vector<16xi32>,
    %add3A_42 = arith.constant 80 : i32
    %add3A_43 = arith.addi %mul3A_4, %add3A_42 : i32
    %iota3A_44 = tpu.iota {dimensions = array<i32: 0>} : vector<16xi32>
    %add3A_45 = vector.broadcast %add3A_43 : i32 to vector<16xi32>
    %add3A_46 = arith.addi %add3A_45, %iota3A_44 : vector<16xi32>
    %swap3A_47 = arith.constant 80 : index
    %swap3A_48 = tpu.vector_load %arg7[%swap3A_47] {strides = array<i32>} : memref<128xi32, #tpu.memory_space<vmem>>, vector<16xi32>,
    tpu.vector_store %arg7[%swap3A_47], %add3A_46 {strides = array<i32>} : memref<128xi32, #tpu.memory_space<vmem>>, vector<16xi32>,
    %add3A_49 = arith.constant 96 : i32
    %add3A_50 = arith.addi %mul3A_4, %add3A_49 : i32
    %iota3A_51 = tpu.iota {dimensions = array<i32: 0>} : vector<16xi32>
    %add3A_52 = vector.broadcast %add3A_50 : i32 to vector<16xi32>
    %add3A_53 = arith.addi %add3A_52, %iota3A_51 : vector<16xi32>
    %swap3A_54 = arith.constant 96 : index
    %swap3A_55 = tpu.vector_load %arg7[%swap3A_54] {strides = array<i32>} : memref<128xi32, #tpu.memory_space<vmem>>, vector<16xi32>,
    tpu.vector_store %arg7[%swap3A_54], %add3A_53 {strides = array<i32>} : memref<128xi32, #tpu.memory_space<vmem>>, vector<16xi32>,
    %add3A_56 = arith.constant 112 : i32
    %add3A_57 = arith.addi %mul3A_4, %add3A_56 : i32
    %iota3A_58 = tpu.iota {dimensions = array<i32: 0>} : vector<16xi32>
    %add3A_59 = vector.broadcast %add3A_57 : i32 to vector<16xi32>
    %add3A_60 = arith.addi %add3A_59, %iota3A_58 : vector<16xi32>
    %swap3A_61 = arith.constant 112 : index
    %swap3A_62 = tpu.vector_load %arg7[%swap3A_61] {strides = array<i32>} : memref<128xi32, #tpu.memory_space<vmem>>, vector<16xi32>,
    tpu.vector_store %arg7[%swap3A_61], %add3A_60 {strides = array<i32>} : memref<128xi32, #tpu.memory_space<vmem>>, vector<16xi32>,
    %dma_start3A = arith.constant 1 : i32
    %dma_start3A_63 = arith.constant 0 : i32
    %dma_start3A_64 = arith.constant 0 : i32
    %dma_start3A_65 = arith.constant 0 : i32
    %dma_start3A_66 = arith.constant 0 : i32
    %dma_start3A_67 = tpu.memref_slice %arg6[%dma_start3A_63, %dma_start3A_65, %dma_start3A_66] : memref<8x128x64xf32, #tpu.memory_space<vmem>> -> memref<1x128x64xf32, #tpu.memory_space<vmem>>
    %dma_start3A_68 = tpu.memref_squeeze %dma_start3A_67 : memref<1x128x64xf32, #tpu.memory_space<vmem>> -> memref<128x64xf32, #tpu.memory_space<vmem>>
    %dma_start3A_69 = arith.constant 0 : i32
    %dma_start3A_70 = tpu.memref_slice %arg5[%dma_start3A, %dma_start3A_69] : memref<50x128xi32, #tpu.memory_space<vmem>> -> memref<1x128xi32, #tpu.memory_space<vmem>>
    %dma_start3A_71 = tpu.memref_squeeze %dma_start3A_70 : memref<1x128xi32, #tpu.memory_space<vmem>> -> memref<128xi32, #tpu.memory_space<vmem>>
    %dma_start3A_72 = arith.constant 0 : i32
    %dma_start3A_73 = arith.constant 0 : i32
    %dma_start3A_74 = tpu.memref_slice %arg3[%dma_start3A_72, %dma_start3A_73] : memref<106496x64xf32, #tpu.memory_space<hbm>> -> memref<106496x64xf32, #tpu.memory_space<hbm>>
    %dma_start3A_75 = tpu.memref_slice %arg8[%dma_start3A_64] : memref<8x!tpu.dma_semaphore, #tpu.memory_space<semaphore_mem>> -> memref<1x!tpu.dma_semaphore, #tpu.memory_space<semaphore_mem>>
    %dma_start3A_76 = tpu.memref_squeeze %dma_start3A_75 : memref<1x!tpu.dma_semaphore, #tpu.memory_space<semaphore_mem>> -> memref<!tpu.dma_semaphore, #tpu.memory_space<semaphore_mem>>
    tpu.enqueue_indirect_dma source(%dma_start3A_74 : memref<106496x64xf32, #tpu.memory_space<hbm>>) target(%dma_start3A_68 : memref<128x64xf32, #tpu.memory_space<vmem>>) offsets(%dma_start3A_71 : memref<128xi32, #tpu.memory_space<vmem>>) semaphore(%dma_start3A_76 : memref<!tpu.dma_semaphore, #tpu.memory_space<semaphore_mem>>)
    %dma_start3A_77 = arith.constant 2 : i32
    %dma_start3A_78 = arith.constant 1 : i32
    %dma_start3A_79 = arith.constant 1 : i32
    %dma_start3A_80 = arith.constant 0 : i32
    %dma_start3A_81 = arith.constant 0 : i32
    %dma_start3A_82 = tpu.memref_slice %arg6[%dma_start3A_78, %dma_start3A_80, %dma_start3A_81] : memref<8x128x64xf32, #tpu.memory_space<vmem>> -> memref<1x128x64xf32, #tpu.memory_space<vmem>>
    %dma_start3A_83 = tpu.memref_squeeze %dma_start3A_82 : memref<1x128x64xf32, #tpu.memory_space<vmem>> -> memref<128x64xf32, #tpu.memory_space<vmem>>
    %dma_start3A_84 = arith.constant 0 : i32
    %dma_start3A_85 = tpu.memref_slice %arg5[%dma_start3A_77, %dma_start3A_84] : memref<50x128xi32, #tpu.memory_space<vmem>> -> memref<1x128xi32, #tpu.memory_space<vmem>>
    %dma_start3A_86 = tpu.memref_squeeze %dma_start3A_85 : memref<1x128xi32, #tpu.memory_space<vmem>> -> memref<128xi32, #tpu.memory_space<vmem>>
    %dma_start3A_87 = arith.constant 0 : i32
    %dma_start3A_88 = arith.constant 0 : i32
    %dma_start3A_89 = tpu.memref_slice %arg3[%dma_start3A_87, %dma_start3A_88] : memref<106496x64xf32, #tpu.memory_space<hbm>> -> memref<106496x64xf32, #tpu.memory_space<hbm>>
    %dma_start3A_90 = tpu.memref_slice %arg8[%dma_start3A_79] : memref<8x!tpu.dma_semaphore, #tpu.memory_space<semaphore_mem>> -> memref<1x!tpu.dma_semaphore, #tpu.memory_space<semaphore_mem>>
    %dma_start3A_91 = tpu.memref_squeeze %dma_start3A_90 : memref<1x!tpu.dma_semaphore, #tpu.memory_space<semaphore_mem>> -> memref<!tpu.dma_semaphore, #tpu.memory_space<semaphore_mem>>
    tpu.enqueue_indirect_dma source(%dma_start3A_89 : memref<106496x64xf32, #tpu.memory_space<hbm>>) target(%dma_start3A_83 : memref<128x64xf32, #tpu.memory_space<vmem>>) offsets(%dma_start3A_86 : memref<128xi32, #tpu.memory_space<vmem>>) semaphore(%dma_start3A_91 : memref<!tpu.dma_semaphore, #tpu.memory_space<semaphore_mem>>)
    %dma_start3A_92 = arith.constant 3 : i32
    %dma_start3A_93 = arith.constant 2 : i32
    %dma_start3A_94 = arith.constant 2 : i32
    %dma_start3A_95 = arith.constant 0 : i32
    %dma_start3A_96 = arith.constant 0 : i32
    %dma_start3A_97 = tpu.memref_slice %arg6[%dma_start3A_93, %dma_start3A_95, %dma_start3A_96] : memref<8x128x64xf32, #tpu.memory_space<vmem>> -> memref<1x128x64xf32, #tpu.memory_space<vmem>>
    %dma_start3A_98 = tpu.memref_squeeze %dma_start3A_97 : memref<1x128x64xf32, #tpu.memory_space<vmem>> -> memref<128x64xf32, #tpu.memory_space<vmem>>
    %dma_start3A_99 = arith.constant 0 : i32
    %dma_start3A_100 = tpu.memref_slice %arg5[%dma_start3A_92, %dma_start3A_99] : memref<50x128xi32, #tpu.memory_space<vmem>> -> memref<1x128xi32, #tpu.memory_space<vmem>>
    %dma_start3A_101 = tpu.memref_squeeze %dma_start3A_100 : memref<1x128xi32, #tpu.memory_space<vmem>> -> memref<128xi32, #tpu.memory_space<vmem>>
    %dma_start3A_102 = arith.constant 0 : i32
    %dma_start3A_103 = arith.constant 0 : i32
    %dma_start3A_104 = tpu.memref_slice %arg3[%dma_start3A_102, %dma_start3A_103] : memref<106496x64xf32, #tpu.memory_space<hbm>> -> memref<106496x64xf32, #tpu.memory_space<hbm>>
    %dma_start3A_105 = tpu.memref_slice %arg8[%dma_start3A_94] : memref<8x!tpu.dma_semaphore, #tpu.memory_space<semaphore_mem>> -> memref<1x!tpu.dma_semaphore, #tpu.memory_space<semaphore_mem>>
    %dma_start3A_106 = tpu.memref_squeeze %dma_start3A_105 : memref<1x!tpu.dma_semaphore, #tpu.memory_space<semaphore_mem>> -> memref<!tpu.dma_semaphore, #tpu.memory_space<semaphore_mem>>
    tpu.enqueue_indirect_dma source(%dma_start3A_104 : memref<106496x64xf32, #tpu.memory_space<hbm>>) target(%dma_start3A_98 : memref<128x64xf32, #tpu.memory_space<vmem>>) offsets(%dma_start3A_101 : memref<128xi32, #tpu.memory_space<vmem>>) semaphore(%dma_start3A_106 : memref<!tpu.dma_semaphore, #tpu.memory_space<semaphore_mem>>)
    %dma_start3A_107 = arith.constant 4 : i32
    %dma_start3A_108 = arith.constant 3 : i32
    %dma_start3A_109 = arith.constant 3 : i32
    %dma_start3A_110 = arith.constant 0 : i32
    %dma_start3A_111 = arith.constant 0 : i32
    %dma_start3A_112 = tpu.memref_slice %arg6[%dma_start3A_108, %dma_start3A_110, %dma_start3A_111] : memref<8x128x64xf32, #tpu.memory_space<vmem>> -> memref<1x128x64xf32, #tpu.memory_space<vmem>>
    %dma_start3A_113 = tpu.memref_squeeze %dma_start3A_112 : memref<1x128x64xf32, #tpu.memory_space<vmem>> -> memref<128x64xf32, #tpu.memory_space<vmem>>
    %dma_start3A_114 = arith.constant 0 : i32
    %dma_start3A_115 = tpu.memref_slice %arg5[%dma_start3A_107, %dma_start3A_114] : memref<50x128xi32, #tpu.memory_space<vmem>> -> memref<1x128xi32, #tpu.memory_space<vmem>>
    %dma_start3A_116 = tpu.memref_squeeze %dma_start3A_115 : memref<1x128xi32, #tpu.memory_space<vmem>> -> memref<128xi32, #tpu.memory_space<vmem>>
    %dma_start3A_117 = arith.constant 0 : i32
    %dma_start3A_118 = arith.constant 0 : i32
    %dma_start3A_119 = tpu.memref_slice %arg3[%dma_start3A_117, %dma_start3A_118] : memref<106496x64xf32, #tpu.memory_space<hbm>> -> memref<106496x64xf32, #tpu.memory_space<hbm>>
    %dma_start3A_120 = tpu.memref_slice %arg8[%dma_start3A_109] : memref<8x!tpu.dma_semaphore, #tpu.memory_space<semaphore_mem>> -> memref<1x!tpu.dma_semaphore, #tpu.memory_space<semaphore_mem>>
    %dma_start3A_121 = tpu.memref_squeeze %dma_start3A_120 : memref<1x!tpu.dma_semaphore, #tpu.memory_space<semaphore_mem>> -> memref<!tpu.dma_semaphore, #tpu.memory_space<semaphore_mem>>
    tpu.enqueue_indirect_dma source(%dma_start3A_119 : memref<106496x64xf32, #tpu.memory_space<hbm>>) target(%dma_start3A_113 : memref<128x64xf32, #tpu.memory_space<vmem>>) offsets(%dma_start3A_116 : memref<128xi32, #tpu.memory_space<vmem>>) semaphore(%dma_start3A_121 : memref<!tpu.dma_semaphore, #tpu.memory_space<semaphore_mem>>)
    %dma_start3A_122 = arith.constant 5 : i32
    %dma_start3A_123 = arith.constant 4 : i32
    %dma_start3A_124 = arith.constant 4 : i32
    %dma_start3A_125 = arith.constant 0 : i32
    %dma_start3A_126 = arith.constant 0 : i32
    %dma_start3A_127 = tpu.memref_slice %arg6[%dma_start3A_123, %dma_start3A_125, %dma_start3A_126] : memref<8x128x64xf32, #tpu.memory_space<vmem>> -> memref<1x128x64xf32, #tpu.memory_space<vmem>>
    %dma_start3A_128 = tpu.memref_squeeze %dma_start3A_127 : memref<1x128x64xf32, #tpu.memory_space<vmem>> -> memref<128x64xf32, #tpu.memory_space<vmem>>
    %dma_start3A_129 = arith.constant 0 : i32
    %dma_start3A_130 = tpu.memref_slice %arg5[%dma_start3A_122, %dma_start3A_129] : memref<50x128xi32, #tpu.memory_space<vmem>> -> memref<1x128xi32, #tpu.memory_space<vmem>>
    %dma_start3A_131 = tpu.memref_squeeze %dma_start3A_130 : memref<1x128xi32, #tpu.memory_space<vmem>> -> memref<128xi32, #tpu.memory_space<vmem>>
    %dma_start3A_132 = arith.constant 0 : i32
    %dma_start3A_133 = arith.constant 0 : i32
    %dma_start3A_134 = tpu.memref_slice %arg3[%dma_start3A_132, %dma_start3A_133] : memref<106496x64xf32, #tpu.memory_space<hbm>> -> memref<106496x64xf32, #tpu.memory_space<hbm>>
    %dma_start3A_135 = tpu.memref_slice %arg8[%dma_start3A_124] : memref<8x!tpu.dma_semaphore, #tpu.memory_space<semaphore_mem>> -> memref<1x!tpu.dma_semaphore, #tpu.memory_space<semaphore_mem>>
    %dma_start3A_136 = tpu.memref_squeeze %dma_start3A_135 : memref<1x!tpu.dma_semaphore, #tpu.memory_space<semaphore_mem>> -> memref<!tpu.dma_semaphore, #tpu.memory_space<semaphore_mem>>
    tpu.enqueue_indirect_dma source(%dma_start3A_134 : memref<106496x64xf32, #tpu.memory_space<hbm>>) target(%dma_start3A_128 : memref<128x64xf32, #tpu.memory_space<vmem>>) offsets(%dma_start3A_131 : memref<128xi32, #tpu.memory_space<vmem>>) semaphore(%dma_start3A_136 : memref<!tpu.dma_semaphore, #tpu.memory_space<semaphore_mem>>)
    %dma_start3A_137 = arith.constant 6 : i32
    %dma_start3A_138 = arith.constant 5 : i32
    %dma_start3A_139 = arith.constant 5 : i32
    %dma_start3A_140 = arith.constant 0 : i32
    %dma_start3A_141 = arith.constant 0 : i32
    %dma_start3A_142 = tpu.memref_slice %arg6[%dma_start3A_138, %dma_start3A_140, %dma_start3A_141] : memref<8x128x64xf32, #tpu.memory_space<vmem>> -> memref<1x128x64xf32, #tpu.memory_space<vmem>>
    %dma_start3A_143 = tpu.memref_squeeze %dma_start3A_142 : memref<1x128x64xf32, #tpu.memory_space<vmem>> -> memref<128x64xf32, #tpu.memory_space<vmem>>
    %dma_start3A_144 = arith.constant 0 : i32
    %dma_start3A_145 = tpu.memref_slice %arg5[%dma_start3A_137, %dma_start3A_144] : memref<50x128xi32, #tpu.memory_space<vmem>> -> memref<1x128xi32, #tpu.memory_space<vmem>>
    %dma_start3A_146 = tpu.memref_squeeze %dma_start3A_145 : memref<1x128xi32, #tpu.memory_space<vmem>> -> memref<128xi32, #tpu.memory_space<vmem>>
    %dma_start3A_147 = arith.constant 0 : i32
    %dma_start3A_148 = arith.constant 0 : i32
    %dma_start3A_149 = tpu.memref_slice %arg3[%dma_start3A_147, %dma_start3A_148] : memref<106496x64xf32, #tpu.memory_space<hbm>> -> memref<106496x64xf32, #tpu.memory_space<hbm>>
    %dma_start3A_150 = tpu.memref_slice %arg8[%dma_start3A_139] : memref<8x!tpu.dma_semaphore, #tpu.memory_space<semaphore_mem>> -> memref<1x!tpu.dma_semaphore, #tpu.memory_space<semaphore_mem>>
    %dma_start3A_151 = tpu.memref_squeeze %dma_start3A_150 : memref<1x!tpu.dma_semaphore, #tpu.memory_space<semaphore_mem>> -> memref<!tpu.dma_semaphore, #tpu.memory_space<semaphore_mem>>
    tpu.enqueue_indirect_dma source(%dma_start3A_149 : memref<106496x64xf32, #tpu.memory_space<hbm>>) target(%dma_start3A_143 : memref<128x64xf32, #tpu.memory_space<vmem>>) offsets(%dma_start3A_146 : memref<128xi32, #tpu.memory_space<vmem>>) semaphore(%dma_start3A_151 : memref<!tpu.dma_semaphore, #tpu.memory_space<semaphore_mem>>)
    %dma_start3A_152 = arith.constant 7 : i32
    %dma_start3A_153 = arith.constant 6 : i32
    %dma_start3A_154 = arith.constant 6 : i32
    %dma_start3A_155 = arith.constant 0 : i32
    %dma_start3A_156 = arith.constant 0 : i32
    %dma_start3A_157 = tpu.memref_slice %arg6[%dma_start3A_153, %dma_start3A_155, %dma_start3A_156] : memref<8x128x64xf32, #tpu.memory_space<vmem>> -> memref<1x128x64xf32, #tpu.memory_space<vmem>>
    %dma_start3A_158 = tpu.memref_squeeze %dma_start3A_157 : memref<1x128x64xf32, #tpu.memory_space<vmem>> -> memref<128x64xf32, #tpu.memory_space<vmem>>
    %dma_start3A_159 = arith.constant 0 : i32
    %dma_start3A_160 = tpu.memref_slice %arg5[%dma_start3A_152, %dma_start3A_159] : memref<50x128xi32, #tpu.memory_space<vmem>> -> memref<1x128xi32, #tpu.memory_space<vmem>>
    %dma_start3A_161 = tpu.memref_squeeze %dma_start3A_160 : memref<1x128xi32, #tpu.memory_space<vmem>> -> memref<128xi32, #tpu.memory_space<vmem>>
    %dma_start3A_162 = arith.constant 0 : i32
    %dma_start3A_163 = arith.constant 0 : i32
    %dma_start3A_164 = tpu.memref_slice %arg3[%dma_start3A_162, %dma_start3A_163] : memref<106496x64xf32, #tpu.memory_space<hbm>> -> memref<106496x64xf32, #tpu.memory_space<hbm>>
    %dma_start3A_165 = tpu.memref_slice %arg8[%dma_start3A_154] : memref<8x!tpu.dma_semaphore, #tpu.memory_space<semaphore_mem>> -> memref<1x!tpu.dma_semaphore, #tpu.memory_space<semaphore_mem>>
    %dma_start3A_166 = tpu.memref_squeeze %dma_start3A_165 : memref<1x!tpu.dma_semaphore, #tpu.memory_space<semaphore_mem>> -> memref<!tpu.dma_semaphore, #tpu.memory_space<semaphore_mem>>
    tpu.enqueue_indirect_dma source(%dma_start3A_164 : memref<106496x64xf32, #tpu.memory_space<hbm>>) target(%dma_start3A_158 : memref<128x64xf32, #tpu.memory_space<vmem>>) offsets(%dma_start3A_161 : memref<128xi32, #tpu.memory_space<vmem>>) semaphore(%dma_start3A_166 : memref<!tpu.dma_semaphore, #tpu.memory_space<semaphore_mem>>)
    %dma_start3A_167 = arith.constant 0 : i32
    %dma_start3A_168 = arith.constant 7 : i32
    %dma_start3A_169 = arith.constant 7 : i32
    %dma_start3A_170 = arith.constant 0 : i32
    %dma_start3A_171 = arith.constant 0 : i32
    %dma_start3A_172 = tpu.memref_slice %arg6[%dma_start3A_168, %dma_start3A_170, %dma_start3A_171] : memref<8x128x64xf32, #tpu.memory_space<vmem>> -> memref<1x128x64xf32, #tpu.memory_space<vmem>>
    %dma_start3A_173 = tpu.memref_squeeze %dma_start3A_172 : memref<1x128x64xf32, #tpu.memory_space<vmem>> -> memref<128x64xf32, #tpu.memory_space<vmem>>
    %dma_start3A_174 = arith.constant 0 : i32
    %dma_start3A_175 = tpu.memref_slice %arg5[%dma_start3A_167, %dma_start3A_174] : memref<50x128xi32, #tpu.memory_space<vmem>> -> memref<1x128xi32, #tpu.memory_space<vmem>>
    %dma_start3A_176 = tpu.memref_squeeze %dma_start3A_175 : memref<1x128xi32, #tpu.memory_space<vmem>> -> memref<128xi32, #tpu.memory_space<vmem>>
    %dma_start3A_177 = arith.constant 0 : i32
    %dma_start3A_178 = arith.constant 0 : i32
    %dma_start3A_179 = tpu.memref_slice %arg3[%dma_start3A_177, %dma_start3A_178] : memref<106496x64xf32, #tpu.memory_space<hbm>> -> memref<106496x64xf32, #tpu.memory_space<hbm>>
    %dma_start3A_180 = tpu.memref_slice %arg8[%dma_start3A_169] : memref<8x!tpu.dma_semaphore, #tpu.memory_space<semaphore_mem>> -> memref<1x!tpu.dma_semaphore, #tpu.memory_space<semaphore_mem>>
    %dma_start3A_181 = tpu.memref_squeeze %dma_start3A_180 : memref<1x!tpu.dma_semaphore, #tpu.memory_space<semaphore_mem>> -> memref<!tpu.dma_semaphore, #tpu.memory_space<semaphore_mem>>
    tpu.enqueue_indirect_dma source(%dma_start3A_179 : memref<106496x64xf32, #tpu.memory_space<hbm>>) target(%dma_start3A_173 : memref<128x64xf32, #tpu.memory_space<vmem>>) offsets(%dma_start3A_176 : memref<128xi32, #tpu.memory_space<vmem>>) semaphore(%dma_start3A_181 : memref<!tpu.dma_semaphore, #tpu.memory_space<semaphore_mem>>)
    %dma_wait3A = arith.constant 0 : i32
    %dma_wait3A_182 = arith.constant 7 : i32
    %dma_wait3A_183 = arith.constant 7 : i32
    %dma_wait3A_184 = arith.constant 0 : i32
    %dma_wait3A_185 = arith.constant 0 : i32
    %dma_wait3A_186 = tpu.memref_slice %arg6[%dma_wait3A_182, %dma_wait3A_184, %dma_wait3A_185] : memref<8x128x64xf32, #tpu.memory_space<vmem>> -> memref<1x128x64xf32, #tpu.memory_space<vmem>>
    %dma_wait3A_187 = tpu.memref_squeeze %dma_wait3A_186 : memref<1x128x64xf32, #tpu.memory_space<vmem>> -> memref<128x64xf32, #tpu.memory_space<vmem>>
    %dma_wait3A_188 = arith.constant 0 : i32
    %dma_wait3A_189 = tpu.memref_slice %arg5[%dma_wait3A, %dma_wait3A_188] : memref<50x128xi32, #tpu.memory_space<vmem>> -> memref<1x128xi32, #tpu.memory_space<vmem>>
    %dma_wait3A_190 = tpu.memref_squeeze %dma_wait3A_189 : memref<1x128xi32, #tpu.memory_space<vmem>> -> memref<128xi32, #tpu.memory_space<vmem>>
    %dma_wait3A_191 = arith.constant 0 : i32
    %dma_wait3A_192 = arith.constant 0 : i32
    %dma_wait3A_193 = tpu.memref_slice %arg3[%dma_wait3A_191, %dma_wait3A_192] : memref<106496x64xf32, #tpu.memory_space<hbm>> -> memref<106496x64xf32, #tpu.memory_space<hbm>>
    %dma_wait3A_194 = tpu.memref_slice %arg8[%dma_wait3A_183] : memref<8x!tpu.dma_semaphore, #tpu.memory_space<semaphore_mem>> -> memref<1x!tpu.dma_semaphore, #tpu.memory_space<semaphore_mem>>
    %dma_wait3A_195 = tpu.memref_squeeze %dma_wait3A_194 : memref<1x!tpu.dma_semaphore, #tpu.memory_space<semaphore_mem>> -> memref<!tpu.dma_semaphore, #tpu.memory_space<semaphore_mem>>
    tpu.wait_indirect_dma semaphore(%dma_wait3A_195 : memref<!tpu.dma_semaphore, #tpu.memory_space<semaphore_mem>>) src(%dma_wait3A_193 : memref<106496x64xf32, #tpu.memory_space<hbm>>) dst(%dma_wait3A_187 : memref<128x64xf32, #tpu.memory_space<vmem>>)
    %run_scoped3A = arith.constant 7 : i32
    "tpu.region"() ({
      %run_scoped3A_291 = tpu.sem_alloc : memref<!tpu.dma_semaphore, #tpu.memory_space<semaphore_mem>>
      %dma_start3A_292 = arith.constant 0 : i32
      %dma_start3A_293 = arith.constant 0 : i32
      %dma_start3A_294 = tpu.memref_slice %arg6[%run_scoped3A, %dma_start3A_292, %dma_start3A_293] : memref<8x128x64xf32, #tpu.memory_space<vmem>> -> memref<1x128x64xf32, #tpu.memory_space<vmem>>
      %dma_start3A_295 = tpu.memref_squeeze %dma_start3A_294 : memref<1x128x64xf32, #tpu.memory_space<vmem>> -> memref<128x64xf32, #tpu.memory_space<vmem>>
      %dma_start3A_296 = arith.constant 0 : i32
      %dma_start3A_297 = tpu.memref_slice %arg10[%mul3A_4, %dma_start3A_296] : memref<2048x64xf32, #tpu.memory_space<vmem_shared>> -> memref<128x64xf32, #tpu.memory_space<vmem_shared>>
      %dma_start3A_298 = arith.constant 0 : i32
      %dma_start3A_299 = tpu.memref_slice %arg10[%mul3A_4, %dma_start3A_298] : memref<2048x64xf32, #tpu.memory_space<vmem_shared>> -> memref<128x64xf32, #tpu.memory_space<vmem_shared>>
      %dma_start3A_300 = arith.constant 0 : i32
      %dma_start3A_301 = arith.constant 0 : i32
      %dma_start3A_302 = tpu.memref_slice %arg6[%run_scoped3A, %dma_start3A_300, %dma_start3A_301] : memref<8x128x64xf32, #tpu.memory_space<vmem>> -> memref<1x128x64xf32, #tpu.memory_space<vmem>>
      %dma_start3A_303 = tpu.memref_squeeze %dma_start3A_302 : memref<1x128x64xf32, #tpu.memory_space<vmem>> -> memref<128x64xf32, #tpu.memory_space<vmem>>
      tpu.enqueue_dma source(%dma_start3A_303 : memref<128x64xf32, #tpu.memory_space<vmem>>) target(%dma_start3A_299 : memref<128x64xf32, #tpu.memory_space<vmem_shared>>) target_semaphore(%run_scoped3A_291 : memref<!tpu.dma_semaphore, #tpu.memory_space<semaphore_mem>>)
      %dma_wait3A_304 = arith.constant 0 : i32
      %dma_wait3A_305 = arith.constant 0 : i32
      %dma_wait3A_306 = tpu.memref_slice %arg6[%run_scoped3A, %dma_wait3A_304, %dma_wait3A_305] : memref<8x128x64xf32, #tpu.memory_space<vmem>> -> memref<1x128x64xf32, #tpu.memory_space<vmem>>
      %dma_wait3A_307 = tpu.memref_squeeze %dma_wait3A_306 : memref<1x128x64xf32, #tpu.memory_space<vmem>> -> memref<128x64xf32, #tpu.memory_space<vmem>>
      %dma_wait3A_308 = arith.constant 0 : i32
      %dma_wait3A_309 = tpu.memref_slice %arg10[%mul3A_4, %dma_wait3A_308] : memref<2048x64xf32, #tpu.memory_space<vmem_shared>> -> memref<128x64xf32, #tpu.memory_space<vmem_shared>>
      %dma_wait3A_310 = arith.constant 0 : i32
      %dma_wait3A_311 = tpu.memref_slice %arg10[%mul3A_4, %dma_wait3A_310] : memref<2048x64xf32, #tpu.memory_space<vmem_shared>> -> memref<128x64xf32, #tpu.memory_space<vmem_shared>>
      %dma_wait3A_312 = arith.constant 0 : i32
      %dma_wait3A_313 = arith.constant 0 : i32
      %dma_wait3A_314 = tpu.memref_slice %arg6[%run_scoped3A, %dma_wait3A_312, %dma_wait3A_313] : memref<8x128x64xf32, #tpu.memory_space<vmem>> -> memref<1x128x64xf32, #tpu.memory_space<vmem>>
      %dma_wait3A_315 = tpu.memref_squeeze %dma_wait3A_314 : memref<1x128x64xf32, #tpu.memory_space<vmem>> -> memref<128x64xf32, #tpu.memory_space<vmem>>
      tpu.wait_dma2 semaphore(%run_scoped3A_291 : memref<!tpu.dma_semaphore, #tpu.memory_space<semaphore_mem>>) src(%dma_wait3A_315 : memref<128x64xf32, #tpu.memory_space<vmem>>) dst(%dma_wait3A_311 : memref<128x64xf32, #tpu.memory_space<vmem_shared>>)
      tpu.yield
    }) : () -> ()
    %scan3A_196 = arith.constant 0 : i32
    %scan3A_197 = arith.constant 49 : i32
    %scan3A_198 = arith.addi %scan3A_196, %scan3A_197 : i32
    %scan3A_199 = arith.constant 1 : i32
    scf.for %scan3A_291 = %scan3A_196 to %scan3A_198 step %scan3A_199  : i32 {
      %mul3A_292 = arith.constant 1 : i32
      %mul3A_293 = arith.muli %scan3A_291, %mul3A_292 : i32
      %add3A_294 = arith.constant 1 : i32
      %add3A_295 = arith.addi %add3A_294, %mul3A_293 : i32
      %sub3A = arith.constant 1 : i32
      %sub3A_296 = arith.subi %add3A_295, %sub3A : i32
      %jit3A = arith.constant 8 : i32
      %eq3A = arith.constant 0 : i32
      %eq3A_297 = arith.cmpi eq, %jit3A, %eq3A : i32
      %jit3A_298 = arith.constant 1 : i32
      %select_n3A = arith.select %eq3A_297, %jit3A_298, %jit3A : i32
      %rem3A = arith.remsi %sub3A_296, %select_n3A : i32
      %ne3A = arith.constant 0 : i32
      %ne3A_299 = arith.cmpi ne, %rem3A, %ne3A : i32
      %lt3A = arith.constant 0 : i32
      %lt3A_300 = arith.cmpi slt, %rem3A, %lt3A : i32
      %lt3A_301 = arith.constant 0 : i32
      %lt3A_302 = arith.cmpi slt, %select_n3A, %lt3A_301 : i32
      %ne3A_303 = arith.xori %lt3A_300, %lt3A_302 : i1
      %and3A = arith.andi %ne3A_303, %ne3A_299 : i1
      %add3A_304 = arith.addi %rem3A, %select_n3A : i32
      %select_n3A_305 = arith.select %and3A, %add3A_304, %rem3A : i32
      %dma_wait3A_306 = arith.constant 0 : i32
      %dma_wait3A_307 = arith.constant 0 : i32
      %dma_wait3A_308 = tpu.memref_slice %arg6[%select_n3A_305, %dma_wait3A_306, %dma_wait3A_307] : memref<8x128x64xf32, #tpu.memory_space<vmem>> -> memref<1x128x64xf32, #tpu.memory_space<vmem>>
      %dma_wait3A_309 = tpu.memref_squeeze %dma_wait3A_308 : memref<1x128x64xf32, #tpu.memory_space<vmem>> -> memref<128x64xf32, #tpu.memory_space<vmem>>
      %dma_wait3A_310 = arith.constant 0 : i32
      %dma_wait3A_311 = tpu.memref_slice %arg5[%add3A_295, %dma_wait3A_310] : memref<50x128xi32, #tpu.memory_space<vmem>> -> memref<1x128xi32, #tpu.memory_space<vmem>>
      %dma_wait3A_312 = tpu.memref_squeeze %dma_wait3A_311 : memref<1x128xi32, #tpu.memory_space<vmem>> -> memref<128xi32, #tpu.memory_space<vmem>>
      %dma_wait3A_313 = arith.constant 0 : i32
      %dma_wait3A_314 = arith.constant 0 : i32
      %dma_wait3A_315 = tpu.memref_slice %arg3[%dma_wait3A_313, %dma_wait3A_314] : memref<106496x64xf32, #tpu.memory_space<hbm>> -> memref<106496x64xf32, #tpu.memory_space<hbm>>
      %dma_wait3A_316 = tpu.memref_slice %arg8[%select_n3A_305] : memref<8x!tpu.dma_semaphore, #tpu.memory_space<semaphore_mem>> -> memref<1x!tpu.dma_semaphore, #tpu.memory_space<semaphore_mem>>
      %dma_wait3A_317 = tpu.memref_squeeze %dma_wait3A_316 : memref<1x!tpu.dma_semaphore, #tpu.memory_space<semaphore_mem>> -> memref<!tpu.dma_semaphore, #tpu.memory_space<semaphore_mem>>
      tpu.wait_indirect_dma semaphore(%dma_wait3A_317 : memref<!tpu.dma_semaphore, #tpu.memory_space<semaphore_mem>>) src(%dma_wait3A_315 : memref<106496x64xf32, #tpu.memory_space<hbm>>) dst(%dma_wait3A_309 : memref<128x64xf32, #tpu.memory_space<vmem>>)
      %dma_start3A_318 = arith.constant 0 : i32
      %dma_start3A_319 = arith.constant 0 : i32
      %dma_start3A_320 = tpu.memref_slice %arg6[%select_n3A_305, %dma_start3A_318, %dma_start3A_319] : memref<8x128x64xf32, #tpu.memory_space<vmem>> -> memref<1x128x64xf32, #tpu.memory_space<vmem>>
      %dma_start3A_321 = tpu.memref_squeeze %dma_start3A_320 : memref<1x128x64xf32, #tpu.memory_space<vmem>> -> memref<128x64xf32, #tpu.memory_space<vmem>>
      %dma_start3A_322 = arith.constant 0 : i32
      %dma_start3A_323 = arith.constant 0 : i32
      %dma_start3A_324 = tpu.memref_slice %arg10[%dma_start3A_322, %dma_start3A_323] : memref<2048x64xf32, #tpu.memory_space<vmem_shared>> -> memref<2048x64xf32, #tpu.memory_space<vmem_shared>>
      %dma_start3A_325 = tpu.memref_slice %arg9[%select_n3A_305] : memref<8x!tpu.dma_semaphore, #tpu.memory_space<semaphore_mem>> -> memref<1x!tpu.dma_semaphore, #tpu.memory_space<semaphore_mem>>
      %dma_start3A_326 = tpu.memref_squeeze %dma_start3A_325 : memref<1x!tpu.dma_semaphore, #tpu.memory_space<semaphore_mem>> -> memref<!tpu.dma_semaphore, #tpu.memory_space<semaphore_mem>>
      tpu.enqueue_indirect_dma source(%dma_start3A_321 : memref<128x64xf32, #tpu.memory_space<vmem>>) target(%dma_start3A_324 : memref<2048x64xf32, #tpu.memory_space<vmem_shared>>) offsets(%arg7 : memref<128xi32, #tpu.memory_space<vmem>>) semaphore(%dma_start3A_326 : memref<!tpu.dma_semaphore, #tpu.memory_space<semaphore_mem>>) {add = true}
      %add3A_327 = arith.constant 8 : i32
      %add3A_328 = arith.addi %add3A_295, %add3A_327 : i32
      %sub3A_329 = arith.constant 2 : i32
      %sub3A_330 = arith.subi %add3A_328, %sub3A_329 : i32
      %jit3A_331 = arith.constant 8 : i32
      %eq3A_332 = arith.constant 0 : i32
      %eq3A_333 = arith.cmpi eq, %jit3A_331, %eq3A_332 : i32
      %jit3A_334 = arith.constant 1 : i32
      %select_n3A_335 = arith.select %eq3A_333, %jit3A_334, %jit3A_331 : i32
      %rem3A_336 = arith.remsi %sub3A_330, %select_n3A_335 : i32
      %ne3A_337 = arith.constant 0 : i32
      %ne3A_338 = arith.cmpi ne, %rem3A_336, %ne3A_337 : i32
      %lt3A_339 = arith.constant 0 : i32
      %lt3A_340 = arith.cmpi slt, %rem3A_336, %lt3A_339 : i32
      %lt3A_341 = arith.constant 0 : i32
      %lt3A_342 = arith.cmpi slt, %select_n3A_335, %lt3A_341 : i32
      %ne3A_343 = arith.xori %lt3A_340, %lt3A_342 : i1
      %and3A_344 = arith.andi %ne3A_343, %ne3A_338 : i1
      %add3A_345 = arith.addi %rem3A_336, %select_n3A_335 : i32
      %select_n3A_346 = arith.select %and3A_344, %add3A_345, %rem3A_336 : i32
      %add3A_347 = arith.constant 8 : i32
      %add3A_348 = arith.addi %add3A_295, %add3A_347 : i32
      %sub3A_349 = arith.constant 1 : i32
      %sub3A_350 = arith.subi %add3A_348, %sub3A_349 : i32
      %ge3A = arith.constant 2 : i32
      %ge3A_351 = arith.cmpi sge, %add3A_295, %ge3A : i32
      %le3A = arith.constant 49 : i32
      %le3A_352 = arith.cmpi sle, %sub3A_350, %le3A : i32
      %and3A_353 = arith.andi %ge3A_351, %le3A_352 : i1
      %convert_element_type3A = arith.extui %and3A_353 : i1 to i32
      %cond3A = arith.constant 0 : i32
      %cond3A_354 = arith.cmpi ne, %convert_element_type3A, %cond3A : i32
      scf.if %cond3A_354 {
        %dma_wait3A_360 = arith.constant 0 : i32
        %dma_wait3A_361 = arith.constant 0 : i32
        %dma_wait3A_362 = tpu.memref_slice %arg6[%select_n3A_346, %dma_wait3A_360, %dma_wait3A_361] : memref<8x128x64xf32, #tpu.memory_space<vmem>> -> memref<1x128x64xf32, #tpu.memory_space<vmem>>
        %dma_wait3A_363 = tpu.memref_squeeze %dma_wait3A_362 : memref<1x128x64xf32, #tpu.memory_space<vmem>> -> memref<128x64xf32, #tpu.memory_space<vmem>>
        %dma_wait3A_364 = arith.constant 0 : i32
        %dma_wait3A_365 = arith.constant 0 : i32
        %dma_wait3A_366 = tpu.memref_slice %arg10[%dma_wait3A_364, %dma_wait3A_365] : memref<2048x64xf32, #tpu.memory_space<vmem_shared>> -> memref<2048x64xf32, #tpu.memory_space<vmem_shared>>
        %dma_wait3A_367 = tpu.memref_slice %arg9[%select_n3A_346] : memref<8x!tpu.dma_semaphore, #tpu.memory_space<semaphore_mem>> -> memref<1x!tpu.dma_semaphore, #tpu.memory_space<semaphore_mem>>
        %dma_wait3A_368 = tpu.memref_squeeze %dma_wait3A_367 : memref<1x!tpu.dma_semaphore, #tpu.memory_space<semaphore_mem>> -> memref<!tpu.dma_semaphore, #tpu.memory_space<semaphore_mem>>
        tpu.wait_indirect_dma semaphore(%dma_wait3A_368 : memref<!tpu.dma_semaphore, #tpu.memory_space<semaphore_mem>>) src(%dma_wait3A_363 : memref<128x64xf32, #tpu.memory_space<vmem>>) dst(%dma_wait3A_366 : memref<2048x64xf32, #tpu.memory_space<vmem_shared>>)
      } else {
      }
      %le3A_355 = arith.constant 49 : i32
      %le3A_356 = arith.cmpi sle, %sub3A_350, %le3A_355 : i32
      %convert_element_type3A_357 = arith.extui %le3A_356 : i1 to i32
      %cond3A_358 = arith.constant 0 : i32
      %cond3A_359 = arith.cmpi ne, %convert_element_type3A_357, %cond3A_358 : i32
      scf.if %cond3A_359 {
        %dma_start3A_360 = arith.constant 0 : i32
        %dma_start3A_361 = arith.constant 0 : i32
        %dma_start3A_362 = tpu.memref_slice %arg6[%select_n3A_346, %dma_start3A_360, %dma_start3A_361] : memref<8x128x64xf32, #tpu.memory_space<vmem>> -> memref<1x128x64xf32, #tpu.memory_space<vmem>>
        %dma_start3A_363 = tpu.memref_squeeze %dma_start3A_362 : memref<1x128x64xf32, #tpu.memory_space<vmem>> -> memref<128x64xf32, #tpu.memory_space<vmem>>
        %dma_start3A_364 = arith.constant 0 : i32
        %dma_start3A_365 = tpu.memref_slice %arg5[%sub3A_350, %dma_start3A_364] : memref<50x128xi32, #tpu.memory_space<vmem>> -> memref<1x128xi32, #tpu.memory_space<vmem>>
        %dma_start3A_366 = tpu.memref_squeeze %dma_start3A_365 : memref<1x128xi32, #tpu.memory_space<vmem>> -> memref<128xi32, #tpu.memory_space<vmem>>
        %dma_start3A_367 = arith.constant 0 : i32
        %dma_start3A_368 = arith.constant 0 : i32
        %dma_start3A_369 = tpu.memref_slice %arg3[%dma_start3A_367, %dma_start3A_368] : memref<106496x64xf32, #tpu.memory_space<hbm>> -> memref<106496x64xf32, #tpu.memory_space<hbm>>
        %dma_start3A_370 = tpu.memref_slice %arg8[%select_n3A_346] : memref<8x!tpu.dma_semaphore, #tpu.memory_space<semaphore_mem>> -> memref<1x!tpu.dma_semaphore, #tpu.memory_space<semaphore_mem>>
        %dma_start3A_371 = tpu.memref_squeeze %dma_start3A_370 : memref<1x!tpu.dma_semaphore, #tpu.memory_space<semaphore_mem>> -> memref<!tpu.dma_semaphore, #tpu.memory_space<semaphore_mem>>
        tpu.enqueue_indirect_dma source(%dma_start3A_369 : memref<106496x64xf32, #tpu.memory_space<hbm>>) target(%dma_start3A_363 : memref<128x64xf32, #tpu.memory_space<vmem>>) offsets(%dma_start3A_366 : memref<128xi32, #tpu.memory_space<vmem>>) semaphore(%dma_start3A_371 : memref<!tpu.dma_semaphore, #tpu.memory_space<semaphore_mem>>)
      } else {
      }
    }
    %scan3A_200 = arith.constant 49 : i32
    %dma_wait3A_201 = arith.constant 0 : i32
    %dma_wait3A_202 = arith.constant 0 : i32
    %dma_wait3A_203 = arith.constant 0 : i32
    %dma_wait3A_204 = arith.constant 0 : i32
    %dma_wait3A_205 = tpu.memref_slice %arg6[%dma_wait3A_201, %dma_wait3A_203, %dma_wait3A_204] : memref<8x128x64xf32, #tpu.memory_space<vmem>> -> memref<1x128x64xf32, #tpu.memory_space<vmem>>
    %dma_wait3A_206 = tpu.memref_squeeze %dma_wait3A_205 : memref<1x128x64xf32, #tpu.memory_space<vmem>> -> memref<128x64xf32, #tpu.memory_space<vmem>>
    %dma_wait3A_207 = arith.constant 0 : i32
    %dma_wait3A_208 = arith.constant 0 : i32
    %dma_wait3A_209 = tpu.memref_slice %arg10[%dma_wait3A_207, %dma_wait3A_208] : memref<2048x64xf32, #tpu.memory_space<vmem_shared>> -> memref<2048x64xf32, #tpu.memory_space<vmem_shared>>
    %dma_wait3A_210 = tpu.memref_slice %arg9[%dma_wait3A_202] : memref<8x!tpu.dma_semaphore, #tpu.memory_space<semaphore_mem>> -> memref<1x!tpu.dma_semaphore, #tpu.memory_space<semaphore_mem>>
    %dma_wait3A_211 = tpu.memref_squeeze %dma_wait3A_210 : memref<1x!tpu.dma_semaphore, #tpu.memory_space<semaphore_mem>> -> memref<!tpu.dma_semaphore, #tpu.memory_space<semaphore_mem>>
    tpu.wait_indirect_dma semaphore(%dma_wait3A_211 : memref<!tpu.dma_semaphore, #tpu.memory_space<semaphore_mem>>) src(%dma_wait3A_206 : memref<128x64xf32, #tpu.memory_space<vmem>>) dst(%dma_wait3A_209 : memref<2048x64xf32, #tpu.memory_space<vmem_shared>>)
    %dma_wait3A_212 = arith.constant 1 : i32
    %dma_wait3A_213 = arith.constant 1 : i32
    %dma_wait3A_214 = arith.constant 0 : i32
    %dma_wait3A_215 = arith.constant 0 : i32
    %dma_wait3A_216 = tpu.memref_slice %arg6[%dma_wait3A_212, %dma_wait3A_214, %dma_wait3A_215] : memref<8x128x64xf32, #tpu.memory_space<vmem>> -> memref<1x128x64xf32, #tpu.memory_space<vmem>>
    %dma_wait3A_217 = tpu.memref_squeeze %dma_wait3A_216 : memref<1x128x64xf32, #tpu.memory_space<vmem>> -> memref<128x64xf32, #tpu.memory_space<vmem>>
    %dma_wait3A_218 = arith.constant 0 : i32
    %dma_wait3A_219 = arith.constant 0 : i32
    %dma_wait3A_220 = tpu.memref_slice %arg10[%dma_wait3A_218, %dma_wait3A_219] : memref<2048x64xf32, #tpu.memory_space<vmem_shared>> -> memref<2048x64xf32, #tpu.memory_space<vmem_shared>>
    %dma_wait3A_221 = tpu.memref_slice %arg9[%dma_wait3A_213] : memref<8x!tpu.dma_semaphore, #tpu.memory_space<semaphore_mem>> -> memref<1x!tpu.dma_semaphore, #tpu.memory_space<semaphore_mem>>
    %dma_wait3A_222 = tpu.memref_squeeze %dma_wait3A_221 : memref<1x!tpu.dma_semaphore, #tpu.memory_space<semaphore_mem>> -> memref<!tpu.dma_semaphore, #tpu.memory_space<semaphore_mem>>
    tpu.wait_indirect_dma semaphore(%dma_wait3A_222 : memref<!tpu.dma_semaphore, #tpu.memory_space<semaphore_mem>>) src(%dma_wait3A_217 : memref<128x64xf32, #tpu.memory_space<vmem>>) dst(%dma_wait3A_220 : memref<2048x64xf32, #tpu.memory_space<vmem_shared>>)
    %dma_wait3A_223 = arith.constant 2 : i32
    %dma_wait3A_224 = arith.constant 2 : i32
    %dma_wait3A_225 = arith.constant 0 : i32
    %dma_wait3A_226 = arith.constant 0 : i32
    %dma_wait3A_227 = tpu.memref_slice %arg6[%dma_wait3A_223, %dma_wait3A_225, %dma_wait3A_226] : memref<8x128x64xf32, #tpu.memory_space<vmem>> -> memref<1x128x64xf32, #tpu.memory_space<vmem>>
    %dma_wait3A_228 = tpu.memref_squeeze %dma_wait3A_227 : memref<1x128x64xf32, #tpu.memory_space<vmem>> -> memref<128x64xf32, #tpu.memory_space<vmem>>
    %dma_wait3A_229 = arith.constant 0 : i32
    %dma_wait3A_230 = arith.constant 0 : i32
    %dma_wait3A_231 = tpu.memref_slice %arg10[%dma_wait3A_229, %dma_wait3A_230] : memref<2048x64xf32, #tpu.memory_space<vmem_shared>> -> memref<2048x64xf32, #tpu.memory_space<vmem_shared>>
    %dma_wait3A_232 = tpu.memref_slice %arg9[%dma_wait3A_224] : memref<8x!tpu.dma_semaphore, #tpu.memory_space<semaphore_mem>> -> memref<1x!tpu.dma_semaphore, #tpu.memory_space<semaphore_mem>>
    %dma_wait3A_233 = tpu.memref_squeeze %dma_wait3A_232 : memref<1x!tpu.dma_semaphore, #tpu.memory_space<semaphore_mem>> -> memref<!tpu.dma_semaphore, #tpu.memory_space<semaphore_mem>>
    tpu.wait_indirect_dma semaphore(%dma_wait3A_233 : memref<!tpu.dma_semaphore, #tpu.memory_space<semaphore_mem>>) src(%dma_wait3A_228 : memref<128x64xf32, #tpu.memory_space<vmem>>) dst(%dma_wait3A_231 : memref<2048x64xf32, #tpu.memory_space<vmem_shared>>)
    %dma_wait3A_234 = arith.constant 3 : i32
    %dma_wait3A_235 = arith.constant 3 : i32
    %dma_wait3A_236 = arith.constant 0 : i32
    %dma_wait3A_237 = arith.constant 0 : i32
    %dma_wait3A_238 = tpu.memref_slice %arg6[%dma_wait3A_234, %dma_wait3A_236, %dma_wait3A_237] : memref<8x128x64xf32, #tpu.memory_space<vmem>> -> memref<1x128x64xf32, #tpu.memory_space<vmem>>
    %dma_wait3A_239 = tpu.memref_squeeze %dma_wait3A_238 : memref<1x128x64xf32, #tpu.memory_space<vmem>> -> memref<128x64xf32, #tpu.memory_space<vmem>>
    %dma_wait3A_240 = arith.constant 0 : i32
    %dma_wait3A_241 = arith.constant 0 : i32
    %dma_wait3A_242 = tpu.memref_slice %arg10[%dma_wait3A_240, %dma_wait3A_241] : memref<2048x64xf32, #tpu.memory_space<vmem_shared>> -> memref<2048x64xf32, #tpu.memory_space<vmem_shared>>
    %dma_wait3A_243 = tpu.memref_slice %arg9[%dma_wait3A_235] : memref<8x!tpu.dma_semaphore, #tpu.memory_space<semaphore_mem>> -> memref<1x!tpu.dma_semaphore, #tpu.memory_space<semaphore_mem>>
    %dma_wait3A_244 = tpu.memref_squeeze %dma_wait3A_243 : memref<1x!tpu.dma_semaphore, #tpu.memory_space<semaphore_mem>> -> memref<!tpu.dma_semaphore, #tpu.memory_space<semaphore_mem>>
    tpu.wait_indirect_dma semaphore(%dma_wait3A_244 : memref<!tpu.dma_semaphore, #tpu.memory_space<semaphore_mem>>) src(%dma_wait3A_239 : memref<128x64xf32, #tpu.memory_space<vmem>>) dst(%dma_wait3A_242 : memref<2048x64xf32, #tpu.memory_space<vmem_shared>>)
    %dma_wait3A_245 = arith.constant 4 : i32
    %dma_wait3A_246 = arith.constant 4 : i32
    %dma_wait3A_247 = arith.constant 0 : i32
    %dma_wait3A_248 = arith.constant 0 : i32
    %dma_wait3A_249 = tpu.memref_slice %arg6[%dma_wait3A_245, %dma_wait3A_247, %dma_wait3A_248] : memref<8x128x64xf32, #tpu.memory_space<vmem>> -> memref<1x128x64xf32, #tpu.memory_space<vmem>>
    %dma_wait3A_250 = tpu.memref_squeeze %dma_wait3A_249 : memref<1x128x64xf32, #tpu.memory_space<vmem>> -> memref<128x64xf32, #tpu.memory_space<vmem>>
    %dma_wait3A_251 = arith.constant 0 : i32
    %dma_wait3A_252 = arith.constant 0 : i32
    %dma_wait3A_253 = tpu.memref_slice %arg10[%dma_wait3A_251, %dma_wait3A_252] : memref<2048x64xf32, #tpu.memory_space<vmem_shared>> -> memref<2048x64xf32, #tpu.memory_space<vmem_shared>>
    %dma_wait3A_254 = tpu.memref_slice %arg9[%dma_wait3A_246] : memref<8x!tpu.dma_semaphore, #tpu.memory_space<semaphore_mem>> -> memref<1x!tpu.dma_semaphore, #tpu.memory_space<semaphore_mem>>
    %dma_wait3A_255 = tpu.memref_squeeze %dma_wait3A_254 : memref<1x!tpu.dma_semaphore, #tpu.memory_space<semaphore_mem>> -> memref<!tpu.dma_semaphore, #tpu.memory_space<semaphore_mem>>
    tpu.wait_indirect_dma semaphore(%dma_wait3A_255 : memref<!tpu.dma_semaphore, #tpu.memory_space<semaphore_mem>>) src(%dma_wait3A_250 : memref<128x64xf32, #tpu.memory_space<vmem>>) dst(%dma_wait3A_253 : memref<2048x64xf32, #tpu.memory_space<vmem_shared>>)
    %dma_wait3A_256 = arith.constant 5 : i32
    %dma_wait3A_257 = arith.constant 5 : i32
    %dma_wait3A_258 = arith.constant 0 : i32
    %dma_wait3A_259 = arith.constant 0 : i32
    %dma_wait3A_260 = tpu.memref_slice %arg6[%dma_wait3A_256, %dma_wait3A_258, %dma_wait3A_259] : memref<8x128x64xf32, #tpu.memory_space<vmem>> -> memref<1x128x64xf32, #tpu.memory_space<vmem>>
    %dma_wait3A_261 = tpu.memref_squeeze %dma_wait3A_260 : memref<1x128x64xf32, #tpu.memory_space<vmem>> -> memref<128x64xf32, #tpu.memory_space<vmem>>
    %dma_wait3A_262 = arith.constant 0 : i32
    %dma_wait3A_263 = arith.constant 0 : i32
    %dma_wait3A_264 = tpu.memref_slice %arg10[%dma_wait3A_262, %dma_wait3A_263] : memref<2048x64xf32, #tpu.memory_space<vmem_shared>> -> memref<2048x64xf32, #tpu.memory_space<vmem_shared>>
    %dma_wait3A_265 = tpu.memref_slice %arg9[%dma_wait3A_257] : memref<8x!tpu.dma_semaphore, #tpu.memory_space<semaphore_mem>> -> memref<1x!tpu.dma_semaphore, #tpu.memory_space<semaphore_mem>>
    %dma_wait3A_266 = tpu.memref_squeeze %dma_wait3A_265 : memref<1x!tpu.dma_semaphore, #tpu.memory_space<semaphore_mem>> -> memref<!tpu.dma_semaphore, #tpu.memory_space<semaphore_mem>>
    tpu.wait_indirect_dma semaphore(%dma_wait3A_266 : memref<!tpu.dma_semaphore, #tpu.memory_space<semaphore_mem>>) src(%dma_wait3A_261 : memref<128x64xf32, #tpu.memory_space<vmem>>) dst(%dma_wait3A_264 : memref<2048x64xf32, #tpu.memory_space<vmem_shared>>)
    %dma_wait3A_267 = arith.constant 6 : i32
    %dma_wait3A_268 = arith.constant 6 : i32
    %dma_wait3A_269 = arith.constant 0 : i32
    %dma_wait3A_270 = arith.constant 0 : i32
    %dma_wait3A_271 = tpu.memref_slice %arg6[%dma_wait3A_267, %dma_wait3A_269, %dma_wait3A_270] : memref<8x128x64xf32, #tpu.memory_space<vmem>> -> memref<1x128x64xf32, #tpu.memory_space<vmem>>
    %dma_wait3A_272 = tpu.memref_squeeze %dma_wait3A_271 : memref<1x128x64xf32, #tpu.memory_space<vmem>> -> memref<128x64xf32, #tpu.memory_space<vmem>>
    %dma_wait3A_273 = arith.constant 0 : i32
    %dma_wait3A_274 = arith.constant 0 : i32
    %dma_wait3A_275 = tpu.memref_slice %arg10[%dma_wait3A_273, %dma_wait3A_274] : memref<2048x64xf32, #tpu.memory_space<vmem_shared>> -> memref<2048x64xf32, #tpu.memory_space<vmem_shared>>
    %dma_wait3A_276 = tpu.memref_slice %arg9[%dma_wait3A_268] : memref<8x!tpu.dma_semaphore, #tpu.memory_space<semaphore_mem>> -> memref<1x!tpu.dma_semaphore, #tpu.memory_space<semaphore_mem>>
    %dma_wait3A_277 = tpu.memref_squeeze %dma_wait3A_276 : memref<1x!tpu.dma_semaphore, #tpu.memory_space<semaphore_mem>> -> memref<!tpu.dma_semaphore, #tpu.memory_space<semaphore_mem>>
    tpu.wait_indirect_dma semaphore(%dma_wait3A_277 : memref<!tpu.dma_semaphore, #tpu.memory_space<semaphore_mem>>) src(%dma_wait3A_272 : memref<128x64xf32, #tpu.memory_space<vmem>>) dst(%dma_wait3A_275 : memref<2048x64xf32, #tpu.memory_space<vmem_shared>>)
    %dma_wait3A_278 = arith.constant 7 : i32
    %dma_wait3A_279 = arith.constant 7 : i32
    %dma_wait3A_280 = arith.constant 0 : i32
    %dma_wait3A_281 = arith.constant 0 : i32
    %dma_wait3A_282 = tpu.memref_slice %arg6[%dma_wait3A_278, %dma_wait3A_280, %dma_wait3A_281] : memref<8x128x64xf32, #tpu.memory_space<vmem>> -> memref<1x128x64xf32, #tpu.memory_space<vmem>>
    %dma_wait3A_283 = tpu.memref_squeeze %dma_wait3A_282 : memref<1x128x64xf32, #tpu.memory_space<vmem>> -> memref<128x64xf32, #tpu.memory_space<vmem>>
    %dma_wait3A_284 = arith.constant 0 : i32
    %dma_wait3A_285 = arith.constant 0 : i32
    %dma_wait3A_286 = tpu.memref_slice %arg10[%dma_wait3A_284, %dma_wait3A_285] : memref<2048x64xf32, #tpu.memory_space<vmem_shared>> -> memref<2048x64xf32, #tpu.memory_space<vmem_shared>>
    %dma_wait3A_287 = tpu.memref_slice %arg9[%dma_wait3A_279] : memref<8x!tpu.dma_semaphore, #tpu.memory_space<semaphore_mem>> -> memref<1x!tpu.dma_semaphore, #tpu.memory_space<semaphore_mem>>
    %dma_wait3A_288 = tpu.memref_squeeze %dma_wait3A_287 : memref<1x!tpu.dma_semaphore, #tpu.memory_space<semaphore_mem>> -> memref<!tpu.dma_semaphore, #tpu.memory_space<semaphore_mem>>
    tpu.wait_indirect_dma semaphore(%dma_wait3A_288 : memref<!tpu.dma_semaphore, #tpu.memory_space<semaphore_mem>>) src(%dma_wait3A_283 : memref<128x64xf32, #tpu.memory_space<vmem>>) dst(%dma_wait3A_286 : memref<2048x64xf32, #tpu.memory_space<vmem_shared>>)
    %run_scoped3A_289 = arith.constant 0 : i32
    "tpu.region"() ({
      %run_scoped3A_291 = tpu.sem_alloc : memref<!tpu.dma_semaphore, #tpu.memory_space<semaphore_mem>>
      %dma_start3A_292 = arith.constant 0 : i32
      %dma_start3A_293 = arith.constant 0 : i32
      %dma_start3A_294 = tpu.memref_slice %arg6[%run_scoped3A_289, %dma_start3A_292, %dma_start3A_293] : memref<8x128x64xf32, #tpu.memory_space<vmem>> -> memref<1x128x64xf32, #tpu.memory_space<vmem>>
      %dma_start3A_295 = tpu.memref_squeeze %dma_start3A_294 : memref<1x128x64xf32, #tpu.memory_space<vmem>> -> memref<128x64xf32, #tpu.memory_space<vmem>>
      %dma_start3A_296 = arith.constant 0 : i32
      %dma_start3A_297 = tpu.memref_slice %arg10[%mul3A_4, %dma_start3A_296] : memref<2048x64xf32, #tpu.memory_space<vmem_shared>> -> memref<128x64xf32, #tpu.memory_space<vmem_shared>>
      %dma_start3A_298 = arith.constant 0 : i32
      %dma_start3A_299 = arith.constant 0 : i32
      %dma_start3A_300 = tpu.memref_slice %arg6[%run_scoped3A_289, %dma_start3A_298, %dma_start3A_299] : memref<8x128x64xf32, #tpu.memory_space<vmem>> -> memref<1x128x64xf32, #tpu.memory_space<vmem>>
      %dma_start3A_301 = tpu.memref_squeeze %dma_start3A_300 : memref<1x128x64xf32, #tpu.memory_space<vmem>> -> memref<128x64xf32, #tpu.memory_space<vmem>>
      %dma_start3A_302 = arith.constant 0 : i32
      %dma_start3A_303 = tpu.memref_slice %arg10[%mul3A_4, %dma_start3A_302] : memref<2048x64xf32, #tpu.memory_space<vmem_shared>> -> memref<128x64xf32, #tpu.memory_space<vmem_shared>>
      tpu.enqueue_dma source(%dma_start3A_303 : memref<128x64xf32, #tpu.memory_space<vmem_shared>>) target(%dma_start3A_301 : memref<128x64xf32, #tpu.memory_space<vmem>>) target_semaphore(%run_scoped3A_291 : memref<!tpu.dma_semaphore, #tpu.memory_space<semaphore_mem>>)
      %dma_wait3A_304 = arith.constant 0 : i32
      %dma_wait3A_305 = arith.constant 0 : i32
      %dma_wait3A_306 = tpu.memref_slice %arg6[%run_scoped3A_289, %dma_wait3A_304, %dma_wait3A_305] : memref<8x128x64xf32, #tpu.memory_space<vmem>> -> memref<1x128x64xf32, #tpu.memory_space<vmem>>
      %dma_wait3A_307 = tpu.memref_squeeze %dma_wait3A_306 : memref<1x128x64xf32, #tpu.memory_space<vmem>> -> memref<128x64xf32, #tpu.memory_space<vmem>>
      %dma_wait3A_308 = arith.constant 0 : i32
      %dma_wait3A_309 = tpu.memref_slice %arg10[%mul3A_4, %dma_wait3A_308] : memref<2048x64xf32, #tpu.memory_space<vmem_shared>> -> memref<128x64xf32, #tpu.memory_space<vmem_shared>>
      %dma_wait3A_310 = arith.constant 0 : i32
      %dma_wait3A_311 = arith.constant 0 : i32
      %dma_wait3A_312 = tpu.memref_slice %arg6[%run_scoped3A_289, %dma_wait3A_310, %dma_wait3A_311] : memref<8x128x64xf32, #tpu.memory_space<vmem>> -> memref<1x128x64xf32, #tpu.memory_space<vmem>>
      %dma_wait3A_313 = tpu.memref_squeeze %dma_wait3A_312 : memref<1x128x64xf32, #tpu.memory_space<vmem>> -> memref<128x64xf32, #tpu.memory_space<vmem>>
      %dma_wait3A_314 = arith.constant 0 : i32
      %dma_wait3A_315 = tpu.memref_slice %arg10[%mul3A_4, %dma_wait3A_314] : memref<2048x64xf32, #tpu.memory_space<vmem_shared>> -> memref<128x64xf32, #tpu.memory_space<vmem_shared>>
      tpu.wait_dma2 semaphore(%run_scoped3A_291 : memref<!tpu.dma_semaphore, #tpu.memory_space<semaphore_mem>>) src(%dma_wait3A_315 : memref<128x64xf32, #tpu.memory_space<vmem_shared>>) dst(%dma_wait3A_313 : memref<128x64xf32, #tpu.memory_space<vmem>>)
      tpu.yield
    }) : () -> ()
    %run_scoped3A_290 = arith.constant 0 : i32
    "tpu.region"() ({
      %run_scoped3A_291 = tpu.sem_alloc : memref<!tpu.dma_semaphore, #tpu.memory_space<semaphore_mem>>
      %dma_start3A_292 = arith.constant 0 : i32
      %dma_start3A_293 = arith.constant 0 : i32
      %dma_start3A_294 = tpu.memref_slice %arg6[%run_scoped3A_290, %dma_start3A_292, %dma_start3A_293] : memref<8x128x64xf32, #tpu.memory_space<vmem>> -> memref<1x128x64xf32, #tpu.memory_space<vmem>>
      %dma_start3A_295 = tpu.memref_squeeze %dma_start3A_294 : memref<1x128x64xf32, #tpu.memory_space<vmem>> -> memref<128x64xf32, #tpu.memory_space<vmem>>
      %dma_start3A_296 = arith.constant 0 : i32
      %dma_start3A_297 = tpu.memref_slice %arg4[%mul3A_2, %dma_start3A_296] : memref<4096x64xf32, #tpu.memory_space<hbm>> -> memref<128x64xf32, #tpu.memory_space<hbm>>
      %dma_start3A_298 = arith.constant 0 : i32
      %dma_start3A_299 = tpu.memref_slice %arg4[%mul3A_2, %dma_start3A_298] : memref<4096x64xf32, #tpu.memory_space<hbm>> -> memref<128x64xf32, #tpu.memory_space<hbm>>
      %dma_start3A_300 = arith.constant 0 : i32
      %dma_start3A_301 = arith.constant 0 : i32
      %dma_start3A_302 = tpu.memref_slice %arg6[%run_scoped3A_290, %dma_start3A_300, %dma_start3A_301] : memref<8x128x64xf32, #tpu.memory_space<vmem>> -> memref<1x128x64xf32, #tpu.memory_space<vmem>>
      %dma_start3A_303 = tpu.memref_squeeze %dma_start3A_302 : memref<1x128x64xf32, #tpu.memory_space<vmem>> -> memref<128x64xf32, #tpu.memory_space<vmem>>
      tpu.enqueue_dma source(%dma_start3A_303 : memref<128x64xf32, #tpu.memory_space<vmem>>) target(%dma_start3A_299 : memref<128x64xf32, #tpu.memory_space<hbm>>) target_semaphore(%run_scoped3A_291 : memref<!tpu.dma_semaphore, #tpu.memory_space<semaphore_mem>>)
      %dma_wait3A_304 = arith.constant 0 : i32
      %dma_wait3A_305 = arith.constant 0 : i32
      %dma_wait3A_306 = tpu.memref_slice %arg6[%run_scoped3A_290, %dma_wait3A_304, %dma_wait3A_305] : memref<8x128x64xf32, #tpu.memory_space<vmem>> -> memref<1x128x64xf32, #tpu.memory_space<vmem>>
      %dma_wait3A_307 = tpu.memref_squeeze %dma_wait3A_306 : memref<1x128x64xf32, #tpu.memory_space<vmem>> -> memref<128x64xf32, #tpu.memory_space<vmem>>
      %dma_wait3A_308 = arith.constant 0 : i32
      %dma_wait3A_309 = tpu.memref_slice %arg4[%mul3A_2, %dma_wait3A_308] : memref<4096x64xf32, #tpu.memory_space<hbm>> -> memref<128x64xf32, #tpu.memory_space<hbm>>
      %dma_wait3A_310 = arith.constant 0 : i32
      %dma_wait3A_311 = tpu.memref_slice %arg4[%mul3A_2, %dma_wait3A_310] : memref<4096x64xf32, #tpu.memory_space<hbm>> -> memref<128x64xf32, #tpu.memory_space<hbm>>
      %dma_wait3A_312 = arith.constant 0 : i32
      %dma_wait3A_313 = arith.constant 0 : i32
      %dma_wait3A_314 = tpu.memref_slice %arg6[%run_scoped3A_290, %dma_wait3A_312, %dma_wait3A_313] : memref<8x128x64xf32, #tpu.memory_space<vmem>> -> memref<1x128x64xf32, #tpu.memory_space<vmem>>
      %dma_wait3A_315 = tpu.memref_squeeze %dma_wait3A_314 : memref<1x128x64xf32, #tpu.memory_space<vmem>> -> memref<128x64xf32, #tpu.memory_space<vmem>>
      tpu.wait_dma2 semaphore(%run_scoped3A_291 : memref<!tpu.dma_semaphore, #tpu.memory_space<semaphore_mem>>) src(%dma_wait3A_315 : memref<128x64xf32, #tpu.memory_space<vmem>>) dst(%dma_wait3A_311 : memref<128x64xf32, #tpu.memory_space<hbm>>)
      tpu.yield
    }) : () -> ()
    return
  }
}

module attributes {stable_mosaic.version = 14 : i64} {
  func.func @_tr_body(%arg0: i32, %arg1: memref<64x8192xf32, #tpu.memory_space<vmem>>, %arg2: memref<4096x128xf32, #tpu.memory_space<vmem>>) attributes {dimension_semantics = [#tpu.dimension_semantics<arbitrary>], iteration_bounds = array<i64: 13>, scalar_prefetch = 0 : i64, scratch_operands = 0 : i64, tpu.core_type = #tpu.core_type<tc>, window_params = [{transform_indices = @transform_0, window_bounds = array<i64: 64, 8192>}, {transform_indices = @transform_1, window_bounds = array<i64: 4096, 128>}]} {
    %get3A = arith.constant 0 : index
    %get3A_0 = arith.constant 0 : index
    %get3A_1 = vector.load %arg1[%get3A, %get3A_0] : memref<64x8192xf32, #tpu.memory_space<vmem>>, vector<64x8192xf32>
    %transpose3A = tpu.transpose %get3A_1, [1, 0] : vector<64x8192xf32> -> vector<8192x64xf32>
    %slice3A = vector.extract_strided_slice %transpose3A {offsets = [0, 0], sizes = [4096, 64], strides = [1, 1]} : vector<8192x64xf32> to vector<4096x64xf32>
    %slice3A_2 = vector.extract_strided_slice %transpose3A {offsets = [4096, 0], sizes = [4096, 64], strides = [1, 1]} : vector<8192x64xf32> to vector<4096x64xf32>
    %concatenate3A = tpu.concatenate %slice3A, %slice3A_2 in 1 : vector<4096x64xf32>, vector<4096x64xf32> -> vector<4096x128xf32>
    %swap3A = arith.constant 0 : index
    %swap3A_3 = arith.constant 0 : index
    %swap3A_4 = vector.load %arg2[%swap3A, %swap3A_3] : memref<4096x128xf32, #tpu.memory_space<vmem>>, vector<4096x128xf32>
    tpu.vector_store %arg2[%swap3A, %swap3A_3], %concatenate3A {strides = array<i32>} : memref<4096x128xf32, #tpu.memory_space<vmem>>, vector<4096x128xf32>,
    return
  }
  func.func @transform_0(%arg0: i32) -> (i32, i32) {
    %c0_i32 = arith.constant 0 : i32
    %c0_i32_0 = arith.constant 0 : i32
    return %c0_i32, %arg0 : i32, i32
  }
  func.func @transform_1(%arg0: i32) -> (i32, i32) {
    %c0_i32 = arith.constant 0 : i32
    %c0_i32_0 = arith.constant 0 : i32
    return %arg0, %c0_i32 : i32, i32
  }
}

module attributes {stable_mosaic.version = 14 : i64} {
  func.func @_mlp_body(%arg0: i32, %arg1: memref<2048x64xf32, #tpu.memory_space<vmem>>, %arg2: memref<64x64xf32, #tpu.memory_space<vmem>>, %arg3: memref<1x64xf32, #tpu.memory_space<vmem>>, %arg4: memref<128x64xf32, #tpu.memory_space<vmem>>, %arg5: memref<1x128xf32, #tpu.memory_space<vmem>>, %arg6: memref<100x2048xf32, #tpu.memory_space<vmem>>) attributes {dimension_semantics = [#tpu.dimension_semantics<arbitrary>], iteration_bounds = array<i64: 2>, scalar_prefetch = 0 : i64, scratch_operands = 0 : i64, tpu.core_type = #tpu.core_type<tc>, window_params = [{transform_indices = @transform_0, window_bounds = array<i64: 2048, 64>}, {pipeline_mode = #tpu.pipeline_mode<synchronous>, transform_indices = @transform_1, window_bounds = array<i64: 64, 64>}, {pipeline_mode = #tpu.pipeline_mode<synchronous>, transform_indices = @transform_2, window_bounds = array<i64: 1, 64>}, {pipeline_mode = #tpu.pipeline_mode<synchronous>, transform_indices = @transform_3, window_bounds = array<i64: 128, 64>}, {pipeline_mode = #tpu.pipeline_mode<synchronous>, transform_indices = @transform_4, window_bounds = array<i64: 1, 128>}, {transform_indices = @transform_5, window_bounds = array<i64: 100, 2048>}]} {
    %get3A = arith.constant 0 : index
    %get3A_0 = arith.constant 0 : index
    %get3A_1 = vector.load %arg1[%get3A, %get3A_0] : memref<2048x64xf32, #tpu.memory_space<vmem>>, vector<2048x64xf32>
    %mul3A = arith.constant 2.000000e-02 : f32
    %mul3A_2 = vector.broadcast %mul3A : f32 to vector<2048x64xf32>
    %mul3A_3 = arith.mulf %get3A_1, %mul3A_2 : vector<2048x64xf32>
    %get3A_4 = arith.constant 0 : index
    %get3A_5 = arith.constant 0 : index
    %get3A_6 = vector.load %arg2[%get3A_4, %get3A_5] : memref<64x64xf32, #tpu.memory_space<vmem>>, vector<64x64xf32>
    %dot_general3A = arith.constant dense<0.000000e+00> : vector<2048x64xf32>
    %dot_general3A_7 = tpu.matmul %mul3A_3, %get3A_6, %dot_general3A {dimension_numbers = #tpu.dot_dimension_numbers<[1], [1], [0], [0], [0, 0, 1, 0], [], []>, transpose_lhs_hint = false} : vector<2048x64xf32>, vector<64x64xf32>, vector<2048x64xf32> -> vector<2048x64xf32>
    %get3A_8 = arith.constant 0 : index
    %get3A_9 = arith.constant 0 : index
    %get3A_10 = vector.load %arg3[%get3A_8, %get3A_9] : memref<1x64xf32, #tpu.memory_space<vmem>>, vector<1x64xf32>
    %add3A = vector.broadcast %get3A_10 : vector<1x64xf32> to vector<2048x64xf32>
    %add3A_11 = arith.addf %dot_general3A_7, %add3A : vector<2048x64xf32>
    %max3A = arith.constant 0.000000e+00 : f32
    %max3A_12 = vector.broadcast %max3A : f32 to vector<2048x64xf32>
    %max3A_13 = arith.maximumf %add3A_11, %max3A_12 : vector<2048x64xf32>
    %get3A_14 = arith.constant 0 : index
    %get3A_15 = arith.constant 0 : index
    %get3A_16 = vector.load %arg4[%get3A_14, %get3A_15] : memref<128x64xf32, #tpu.memory_space<vmem>>, vector<128x64xf32>
    %dot_general3A_17 = arith.constant dense<0.000000e+00> : vector<2048x128xf32>
    %dot_general3A_18 = tpu.matmul %max3A_13, %get3A_16, %dot_general3A_17 {dimension_numbers = #tpu.dot_dimension_numbers<[1], [1], [0], [0], [0, 0, 1, 0], [], []>, transpose_lhs_hint = false} : vector<2048x64xf32>, vector<128x64xf32>, vector<2048x128xf32> -> vector<2048x128xf32>
    %get3A_19 = arith.constant 0 : index
    %get3A_20 = arith.constant 0 : index
    %get3A_21 = vector.load %arg5[%get3A_19, %get3A_20] : memref<1x128xf32, #tpu.memory_space<vmem>>, vector<1x128xf32>
    %add3A_22 = vector.broadcast %get3A_21 : vector<1x128xf32> to vector<2048x128xf32>
    %add3A_23 = arith.addf %dot_general3A_18, %add3A_22 : vector<2048x128xf32>
    %transpose3A = tpu.transpose %add3A_23, [1, 0] : vector<2048x128xf32> -> vector<128x2048xf32>
    %slice3A = vector.extract_strided_slice %transpose3A {offsets = [0, 0], sizes = [100, 2048], strides = [1, 1]} : vector<128x2048xf32> to vector<100x2048xf32>
    %swap3A = arith.constant 0 : index
    %swap3A_24 = arith.constant 0 : index
    %swap3A_25 = vector.load %arg6[%swap3A, %swap3A_24] : memref<100x2048xf32, #tpu.memory_space<vmem>>, vector<100x2048xf32>
    tpu.vector_store %arg6[%swap3A, %swap3A_24], %slice3A {strides = array<i32>} : memref<100x2048xf32, #tpu.memory_space<vmem>>, vector<100x2048xf32>,
    return
  }
  func.func @transform_0(%arg0: i32) -> (i32, i32) {
    %c0_i32 = arith.constant 0 : i32
    %c0_i32_0 = arith.constant 0 : i32
    return %arg0, %c0_i32 : i32, i32
  }
  func.func @transform_1(%arg0: i32) -> (i32, i32) {
    %c0_i32 = arith.constant 0 : i32
    %c0_i32_0 = arith.constant 0 : i32
    %c0_i32_1 = arith.constant 0 : i32
    return %c0_i32, %c0_i32_0 : i32, i32
  }
  func.func @transform_2(%arg0: i32) -> (i32, i32) {
    %c0_i32 = arith.constant 0 : i32
    %c0_i32_0 = arith.constant 0 : i32
    %c0_i32_1 = arith.constant 0 : i32
    return %c0_i32, %c0_i32_0 : i32, i32
  }
  func.func @transform_3(%arg0: i32) -> (i32, i32) {
    %c0_i32 = arith.constant 0 : i32
    %c0_i32_0 = arith.constant 0 : i32
    %c0_i32_1 = arith.constant 0 : i32
    return %c0_i32, %c0_i32_0 : i32, i32
  }
  func.func @transform_4(%arg0: i32) -> (i32, i32) {
    %c0_i32 = arith.constant 0 : i32
    %c0_i32_0 = arith.constant 0 : i32
    %c0_i32_1 = arith.constant 0 : i32
    return %c0_i32, %c0_i32_0 : i32, i32
  }
  func.func @transform_5(%arg0: i32) -> (i32, i32) {
    %c0_i32 = arith.constant 0 : i32
    %c0_i32_0 = arith.constant 0 : i32
    return %c0_i32, %arg0 : i32, i32
  }
}

</mosaic_0001>

<sc_bundles>
// kernel: kernel.5.cloned.1.call-start
scs
__scs_entry_jumppad:
0x0: {  	(pc) =	sbr.rel $0x88, $3  }
0x1: {  	(tag) =	ssettag $0x0;
	lr =	simm.s32 $0x1  }
0x2: {  	[smem:$0x3F9B] =	sst lr;
	_ =	strace $0xD0000000  }
0x3: {  	_ = 	snop  }
0x4: {  	_ = 	snop  }
0x5: {  	_ = 	snop  }
0x6: {  	_ = 	snop  }
0x7: {  	_ = 	snop  }
__scs_overlays_trampoline_lowered:
0x8: {  	[smem:$0x3FAA] =	sst s0  }
0x9: {  	[smem:$0x3FAB] =	sst s1  }
0xa: {  	[smem:$0x3FAC] =	sst s2  }
0xb: {  	[smem:$0x3FAD] =	sst s3  }
0xc: {  	[smem:$0x3FAE] =	sst s4  }
0xd: {  	[smem:$0x3FAF] =	sst s5  }
0xe: {  	[smem:$0x3FB0] =	sst s6  }
0xf: {  	[smem:$0x3FB1] =	sst s7  }
0x10: {  	[smem:$0x3FB2] =	sst s8  }
0x11: {  	[smem:$0x3FB3] =	sst s9;
	s0 =	simm.s32 @!p0 $0x0  }
0x12: {  	s1 =	sld [smem:$0x3F99];
	s0 =	simm.s32 @p0 $0x1  }
0x13: {  	[smem:$0x3FB4] =	sst s0;
	s0 =	simm.s32 @!p1 $0x0  }
0x14: {  	s2 =	sld [smem:$0x3F98];
	s0 =	simm.s32 @p1 $0x1  }
0x15: {  	[smem:$0x3FB5] =	sst s0;
	s0 =	simm.s32 @!p2 $0x0  }
0x16: {  	s3 =	sld [smem:$0x3FDB];
	s0 =	simm.s32 @p2 $0x1  }
0x17: {  	s4 =	simm.s32 $0x1BF5;
	[smem:$0x3FB7] =	sst s0  }
0x18: {  	s0 =	sld [smem:$0x3F9A];
	_ =	swait.ge [sflag:s4], $0x0  }
0x19: {  	s7 =	sld [smem:$0x3F9B]  }
0x1a: {  	s8 =	sadd.s32 $0xFFFFE003, lr  }
0x1b: {  	s9 =	sadd.s32 $0xFFFFFEF7, lr;
	s5 =	simm.s32 $0xFFFFFFFF;
	p2 =	slt.u32 s8, $0xFFFFF086  }
0x1c: {  	p1 =	slt.u32 s9, $0xF7A;
	s5 =	simm.s32 @!p2 $0x0  }
0x1d: {  	s5 =	simm.s32 @p1 $0x1;
	p0 =	seq.s32 s7, s2  }
0x1e: {  	s7 =	smul.u32 @!p0 $0xF7A, s2;
	p2 =	seq.s32 @!p0 s5, $0x0  }
0x1f: {  	s9 =	smul.u32 $0xF7A, s1;
	s8 =	simm.s32 @!p0 $0x1BF5;
	p2 =	por !p2, p0  }
0x20: {  	[sflag:s8] =	ssyncset.s32 @!p0 $0xFFFFF086;
	s6 =	sadd.s32 @!p0 s3, s7;
	s7 =	simm.s32 @!p0 $0x108  }
0x21: {  	s3 =	sadd.s32 s3, s9;
	s6 =	sadd.s32 @!p0 $0x88, s6;
	s7 =	simm.s32 @p2 $0x1082  }
0x22: {  	[simem:s7], [sflag:s8] =	dma.local @!p0 [hbm:s6], $0xF7A  }
0x23: {  	s9 =	sor.u32 $0xD0000000, s2;
	s6 =	simm.s32 $0x108;
	_ =	swait.ge @!p0 [sflag:s8], $0x0  }
0x24: {  	s3 =	sadd.s32 $0x88, s3;
	s6 =	simm.s32 @!p1 $0x1082;
	[sflag:s4] =	ssyncset.s32 $0xFFFFF086  }
0x25: {  	[simem:s6], [sflag:s4] =	dma.local [hbm:s3], $0xF7A  }
0x26: {  	[smem:$0x3F9B] =	sst s1;
	(tag) =	ssettag s2;
	_ =	strace s9  }
0x27: {  	s1 =	sld [smem:$0x3FAB]  }
0x28: {  	s2 =	sld [smem:$0x3FAC]  }
0x29: {  	s4 =	sld [smem:$0x3FAE]  }
0x2a: {  	p0 =	seq.s32 s5, $0x0;
	s5 =	sld [smem:$0x3FAF]  }
0x2b: {  	s6 =	sld [smem:$0x3FB0]  }
0x2c: {  	s7 =	sld [smem:$0x3FB1]  }
0x2d: {  	s3 =	simm.s32 $0x108;
	s8 =	sld [smem:$0x3FB2]  }
0x2e: {  	s3 =	simm.s32 @!p0 $0x1082;
	s9 =	sld [smem:$0x3FB3]  }
0x2f: {  	lr =	sadd.s32 s0, s3;
	s0 =	sld [smem:$0x3FAA]  }
0x30: {  	s3 =	sld [smem:$0x3FAD]  }
0x31: {  	[smem:$0x3FB6] =	sst s10  }
0x32: {  	s10 =	sld [smem:$0x3FB4];
	_ =	sdelay $0x3  }
0x33: {  	p0 =	seq.s32 s10, $0x1;
	s10 =	sld [smem:$0x3FB6];
	_ =	sdelay $0x3  }
0x34: {  	[smem:$0x3FB6] =	sst s10  }
0x35: {  	s10 =	sld [smem:$0x3FB5];
	_ =	sdelay $0x3  }
0x36: {  	p1 =	seq.s32 s10, $0x1;
	s10 =	sld [smem:$0x3FB6];
	_ =	sdelay $0x3  }
0x37: {  	[smem:$0x3FB6] =	sst s10  }
0x38: {  	s10 =	sld [smem:$0x3FB7]  }
0x39: {  	_ = 	snop;
	(pc) =	sbr.ind lr, $3  }
0x3a: {  	_ = 	snop  }
0x3b: {  	_ = 	snop  }
0x3c: {  	p2 =	seq.s32 s10, $0x1;
	s10 =	sld [smem:$0x3FB6]  }
0x3d: {  	_ =	shalt  }
0x3e: {  	_ =	shalt  }
0x3f: {  	_ =	shalt  }
0x40: {  	_ =	shalt  }
0x41: {  	_ =	shalt  }
0x42: {  	_ =	shalt  }
0x43: {  	_ =	shalt  }
0x44: {  	_ =	shalt  }
0x45: {  	_ =	shalt  }
0x46: {  	_ =	shalt  }
0x47: {  	_ =	shalt  }
0x48: {  	_ =	shalt  }
0x49: {  	_ =	shalt  }
0x4a: {  	_ =	shalt  }
0x4b: {  	_ =	shalt  }
0x4c: {  	_ =	shalt  }
0x4d: {  	_ =	shalt  }
0x4e: {  	_ =	shalt  }
0x4f: {  	_ =	shalt  }
0x50: {  	_ =	shalt  }
0x51: {  	_ =	shalt  }
0x52: {  	_ =	shalt  }
0x53: {  	_ =	shalt  }
0x54: {  	_ =	shalt  }
0x55: {  	_ =	shalt  }
0x56: {  	_ =	shalt  }
0x57: {  	_ =	shalt  }
0x58: {  	_ =	shalt  }
0x59: {  	_ =	shalt  }
0x5a: {  	_ =	shalt  }
0x5b: {  	_ =	shalt  }
0x5c: {  	_ =	shalt  }
0x5d: {  	_ =	shalt  }
0x5e: {  	_ =	shalt  }
0x5f: {  	_ =	shalt  }
0x60: {  	_ =	shalt  }
0x61: {  	_ =	shalt  }
0x62: {  	_ =	shalt  }
0x63: {  	_ =	shalt  }
0x64: {  	_ =	shalt  }
0x65: {  	_ =	shalt  }
0x66: {  	_ =	shalt  }
0x67: {  	_ =	shalt  }
0x68: {  	_ =	shalt  }
0x69: {  	_ =	shalt  }
0x6a: {  	_ =	shalt  }
0x6b: {  	_ =	shalt  }
0x6c: {  	_ =	shalt  }
0x6d: {  	_ =	shalt  }
0x6e: {  	_ =	shalt  }
0x6f: {  	_ =	shalt  }
0x70: {  	_ =	shalt  }
0x71: {  	_ =	shalt  }
0x72: {  	_ =	shalt  }
0x73: {  	_ =	shalt  }
0x74: {  	_ =	shalt  }
0x75: {  	_ =	shalt  }
0x76: {  	_ =	shalt  }
0x77: {  	_ =	shalt  }
0x78: {  	_ =	shalt  }
0x79: {  	_ =	shalt  }
0x7a: {  	_ =	shalt  }
0x7b: {  	_ =	shalt  }
0x7c: {  	_ =	shalt  }
0x7d: {  	_ =	shalt  }
0x7e: {  	_ =	shalt  }
0x7f: {  	_ =	shalt  }
0x80: {  	_ =	shalt  }
0x81: {  	_ =	shalt  }
0x82: {  	_ =	shalt  }
0x83: {  	_ =	shalt  }
0x84: {  	_ =	shalt  }
0x85: {  	_ =	shalt  }
0x86: {  	_ =	shalt  }
0x87: {  	_ =	shalt  }
.Lfunc_end0:
.L_simem_size_0:
called_computation_lowered:
.L_overlay_start_0:
0x88: {  	s2 =	sld [smem:$0x3FD9]  }
0x89: {  	s3 =	sld [smem:$0x3FFE];
	_ =	sdelay $0x1  }
0x8a: {  	s1 =	srdreg.scid  }
0x8b: {  	s0 =	sand.u32 $0x1, s1  }
0x8c: {  	s17 =	sshll.u32 s0, $0xA;
	s2 =	sadd.s32 s3, s2  }
0x8d: {  	s2 =	sadd.s32 s2, s17  }
0x8e: {  	[smem:$0x3FC2] =	sst s2  }
0x8f: {  	_ = 	snop  }
0x90: {  	s2 =	sld [smem:$0x3FD0];
	(tm) =	ssettm $0x1  }
0x91: {  	s18 =	sld [smem:$0x3FFB];
	_ =	sdelay $0x3  }
0x92: {  	_ =	strace s18  }
0x93: {  	s3 =	sld [smem:$0x3FFC];
	_ =	sdelay $0x3  }
0x94: {  	_ =	strace s3  }
0x95: {  	s3 =	sld [smem:$0x3FFD];
	_ =	sdelay $0x3  }
0x96: {  	_ =	strace s3  }
0x97: {  	_ =	strace $0x8FFFFFFF  }
0x98: {  	s19 =	sld [smem:$0x3FDB];
	_ =	sdelay $0x1  }
0x99: {  	s4 =	simm.s32 $_scs_section_size  }
0x9a: {  	s5 =	simm.s32 $_size__tile_overlayer_lowered;
	s6 =	simm.s32 $_tile_overlayer_lowered  }
0x9b: {  	s22 =	simm.s32 $0x1BFF;
	s21 =	sshll.u32 s6, $0x1;
	s3 =	sadd.s32 s4, s19  }
0x9c: {  	s7 =	simm.s32 $0x0;
	s20 =	sshll.u32 s5, $0x1;
	s5 =	sadd.s32 s21, s3  }
0x9d: {  	[timem:s7], [sflag:s22] =	dma.local [hbm:s5], s20  }
0x9e: {  	_ =	swait.ge [sflag:s22], s20  }
0x9f: {  	s4 =	ssub.s32 $0x0, s20;
	[sflag:s22] =	ssyncset.done $0x0  }
0xa0: {  	[sflag:s22] =	ssyncadd.s32 s4;
	_ =	sdelay $0x1  }
0xa1: {  	s23 =	simm.s32 $0x1B8B  }
0xa2: {  	_ =	swait.ge [sflag:s23], $0x1  }
0xa3: {  	[sflag:s23] =	ssyncset.done $0x0  }
0xa4: {  	s25 =	simm.s32 $0x1B8E;
	s24 =	sld [smem:$0x3FFE];
	[sflag:s23] =	ssyncadd.s32 $0xFFFFFFFF  }
0xa5: {  	s26 =	simm.s32 $execute0_lowered;
	[smem:$0x3FD2] =	sst s25  }
0xa6: {  	s5 =	sshll.u32 s26, $0x1;
	_ =	strace $0x80000046;
	[dreg:$0x1] =	wrdreg $0xFFFFFFFF  }
0xa7: {  	s28 =	simm.s32 $_size_execute0_lowered;
	s3 =	sadd.s32 s3, s5;
	[dreg:$0x0] =	wrdreg $0x0  }
0xa8: {  	s5 =	sshll.u32 s28, $0x1;
	[dreg:$0x2] =	wrdreg s3  }
0xa9: {  	[dreg:$0x3] =	wrdreg s5  }
0xaa: {  	[dreg:$0x4] =	wrdreg $0xC0  }
0xab: {  	_ =	task [dreg:s7], $0x5FFFF  }
0xac: {  	[dreg:$0x1] =	wrdreg $0xFFFFFFFF  }
0xad: {  	[dreg:$0x0] =	wrdreg $0x60  }
0xae: {  	[dreg:$0x2] =	wrdreg s24  }
0xaf: {  	[dreg:$0x3] =	wrdreg s2  }
0xb0: {  	[dreg:$0x4] =	wrdreg $0x119800  }
0xb1: {  	[dreg:$0x5] =	wrdreg $0x9  }
0xb2: {  	_ =	task.clear_ibuf [dreg:s7], $0x6FFFF;
	_ =	strace $0x90000046  }
0xb3: {  	s29 =	simm.s32 $0x9;
	_ =	strace $0x80000048  }
0xb4: {  	_ =	swait.ge [sflag:s29], $0x1  }
0xb5: {  	[sflag:s29] =	ssyncadd.s32 $0xFFFFFFFF  }
0xb6: {  	_ =	strace $0x90000048  }
0xb7: {  	_ =	sfence  }
0xb8: {  	s30 =	sld [smem:$0x0];
	_ =	sdelay $0x2  }
0xb9: {  	s31 =	sshll.u32 s1, $0xD;
	s1 =	sshrl.u32 s1, $0x2  }
0xba: {  	s3 =	sand.u32 $0x4000, s31;
	s1 =	sadd.s32 s1, s30  }
0xbb: {  	s0 =	sor.u32 s3, s0;
	s1 =	sshll.u32 s1, $0x11  }
0xbc: {  	s0 =	sor.u32 s1, s0  }
0xbd: {  	s0 =	sadd.s32 $0x8F2B, s0  }
0xbe: {  	[sflag:s0] =	ssyncadd.remote.s32 $0x1  }
0xbf: {  	_ =	sfence.sel $0xFFFF  }
0xc0: {  	[dreg:$0x0] =	wrdreg $0xFFFFFFFF;
	(pc) =	sbr.abs _section_cstart, $3  }
0xc1: {  	[dreg:$0x1] =	wrdreg $0xFFFFFFFF  }
0xc2: {  	_ =	task.clear_ibuf [dreg:s7], $0x2FFFF;
	_ =	strace $0x9FFFFFFF  }
0xc3: {  	(tm) =	ssettm $0x7FFFFFFF  }
tec
execute0_lowered:
.L_overlay_start_1:
0x0: {  	(tag) =	ssettag $0x1  }
0x1: {  	s0 =	rddreg [dreg:$0x0]  }
0x2: {  	s1 =	rddreg [dreg:$0x1]  }
0x3: {  	s2 =	rddreg [dreg:$0x2]  }
0x4: {  	s3 =	srdreg.scid;
	s8 =	stileid.u32  }
0x5: {  	s9 =	simm.s32 $0x80;
	s11 =	simm.s32 $0x11;
	s12 =	simm.s32 $0x1900  }
0x6: {  	s22 =	simm.s32 $0xB900;
	s23 =	simm.s32 $0x380;
	s24 =	simm.s32 $0xD900  }
0x7: {  	s28 =	simm.s32 $0x11900;
	s29 =	simm.s32 $0x9;
	s30 =	simm.s32 $0xA  }
0x8: {  	s31 =	simm.s32 $0xB;
	s4 =	sand.u32 $0x1, s3;
	s3 =	simm.s32 $0x0  }
0x9: {  	s10 =	sshll.u32 s8, $0x7;
	s26 =	sshll.u32 s8, $0xD;
	s5 =	sshll.u32 s4, $0xB  }
0xa: {  	[smem:$0x7FF] =	sst s3;
	s6 =	ssub.s32 $0x2, s4;
	s4 =	sadd.s32 $0xE00, s0  }
0xb: {  	s13 =	sor.u32 $0x10, s10;
	s14 =	sor.u32 $0x20, s10;
	s15 =	sor.u32 $0x30, s10  }
0xc: {  	s16 =	sor.u32 $0x40, s10;
	s17 =	sor.u32 $0x50, s10;
	s18 =	sor.u32 $0x60, s10  }
0xd: {  	v7 =	vlaneseq.u32;
	s19 =	sor.u32 $0x70, s10;
	s7 =	sor.u32 s10, s5;
	_ =	strace $0x80000047  }
0xe: {  	v0 =	vor.u32 s10, v7;
	s25 =	sshrl.u32 s6, $0x1;
	v1 =	vor.u32 s13, v7;
	s10 =	simm.s32 $0xE;
	s13 =	simm.s32 $0xF  }
.Ltmp0:
0xf: {  	v2 =	vor.u32 s14, v7;
	s14 =	simm.s32 $0x10;
	s5 =	sshrl.u32 s7, $0x3;
	(pc) =	sbr.rel .LBB2_1-.Ltmp0, $4  }
0x10: {  	v3 =	vor.u32 s15, v7;
	s15 =	simm.s32 $0x0;
	s7 =	sshll.u32 s7, $0x3;
	s5 =	sadd.s32 s5, s0  }
0x11: {  	s0 =	ssub.s32 s6, s25;
	s6 =	sadd.s32 s26, s2;
	s7 =	sadd.s32 s1, s7  }
0x12: {  	v8 =	vimm.s32 $0xFFFFE001;
	v4 =	vor.u32 s16, v7;
	s25 =	simm.s32 $0xF900;
	s26 =	simm.s32 $0x8;
	s1 =	simm.s32 $0xD  }
0x13: {  	v5 =	vor.u32 s17, v7;
	v6 =	vor.u32 s18, v7;
	v7 =	vor.u32 s19, v7;
	s5 =	sadd.s32 $0xD0E00, s5;
	s8 =	smax.u32 s0, $0x1;
	s0 =	simm.s32 $0xC  }
.LBB2_9:
0x14: {  	_ =	swait.ge [sflag:s29], $0x2000  }
0x15: {  	[sflag:s29] =	ssyncset.done $0x0  }
0x16: {  	[sflag:s29] =	ssyncadd.s32 $0xFFFFE000  }
0x17: {  	_ =	swait.ge [sflag:s30], $0x2000  }
0x18: {  	[sflag:s30] =	ssyncset.done $0x0  }
0x19: {  	[sflag:s30] =	ssyncadd.s32 $0xFFFFE000  }
0x1a: {  	_ =	swait.ge [sflag:s31], $0x2000  }
0x1b: {  	[sflag:s31] =	ssyncset.done $0x0  }
0x1c: {  	[sflag:s31] =	ssyncadd.s32 $0xFFFFE000  }
0x1d: {  	_ =	swait.ge [sflag:s0], $0x2000  }
0x1e: {  	[sflag:s0] =	ssyncset.done $0x0  }
0x1f: {  	[sflag:s0] =	ssyncadd.s32 $0xFFFFE000  }
0x20: {  	_ =	swait.ge [sflag:s1], $0x2000  }
0x21: {  	[sflag:s1] =	ssyncset.done $0x0  }
0x22: {  	[sflag:s1] =	ssyncadd.s32 $0xFFFFE000  }
0x23: {  	_ =	swait.ge [sflag:s10], $0x2000  }
0x24: {  	[sflag:s10] =	ssyncset.done $0x0  }
0x25: {  	[sflag:s10] =	ssyncadd.s32 $0xFFFFE000  }
0x26: {  	_ =	swait.ge [sflag:s13], $0x2000  }
0x27: {  	[sflag:s13] =	ssyncset.done $0x0  }
0x28: {  	[sflag:s13] =	ssyncadd.s32 $0xFFFFE000  }
0x29: {  	_ =	swait.ge [sflag:s14], $0x2000  }
0x2a: {  	[sflag:s14] =	ssyncset.done $0x0  }
0x2b: {  	[sflag:s14] =	ssyncadd.s32 $0xFFFFE000  }
0x2c: {  	[tilespmem:s12], [sflag:$0x11] =	stream.linear.gather [spmem:s6], $0x2000, $0x38;
	[tilespmem:$0x13980] =	vst v63  }
0x2d: {  	s15 =	sadd.s32 $0x1, s15;
	_ =	swait.ge [sflag:s11], $0x2000  }
0x2e: {  	p0 =	sne.s32 s15, s8;
	[sflag:s11] =	ssyncset.done $0x0  }
.Ltmp1:
0x2f: {  	[sflag:s11] =	ssyncadd.s32 $0xFFFFE000;
	(pc) =	sbr.rel @!p0 .LBB2_10-.Ltmp1, $4  }
0x30: {  	[hbm4b:s7+s3] =	stream.linear.scatter [tilespmem:s12], [sflag:$0x11], $0x2000, $0x38;
	[tilespmem:$0x13980] =	vst v63  }
0x31: {  	_ =	swait.ge [sflag:s11], $0x2000  }
0x32: {  	[sflag:s11] =	ssyncset.done $0x0  }
0x33: {  	[sflag:s11] =	ssyncadd.s32 $0xFFFFE000  }
.LBB2_1:
0x34: {  	s16 =	simm.s32 $0x1000  }
0x35: {  	[tilespmem:s3], [sflag:$0x11] =	stream.strided.gather [hbm4b:s5+s9], $0x1900, s16, s9, $0x38;
	[tilespmem:$0x13980] =	vst v63  }
0x36: {  	_ =	swait.ge [sflag:s11], $0x1900  }
0x37: {  	[sflag:s11] =	ssyncset.done $0x0  }
0x38: {  	s16 =	simm.s32 $0x0;
	[sflag:s11] =	ssyncadd.s32 $0xFFFFE700  }
0x39: {  	v9 =	vld [tilespmem:s16+$0x0];
	_ =	sdelay $0x2  }
0x3a: {  	v10 =	vld [tilespmem:s16+$0x10];
	_ =	sdelay $0x1  }
0x3b: {  	v11 =	vld [tilespmem:s16+$0x20];
	v12 =	vand.u32 $0x1FFF, v9  }
0x3c: {  	v9 =	vand.u32 $0xFFFFE000, v9;
	v13 =	vshll.u32 v12, $0x1  }
0x3d: {  	vm0 =	vlt.u32 v12, $0x1000;
	v9 =	vadd.s32 v9, v13  }
0x3e: {  	v14 =	vld [tilespmem:s16+$0x30];
	v12 =	vsel vm0, $0x0, v8;
	v13 =	vand.u32 $0x1FFF, v10;
	v10 =	vand.u32 $0xFFFFE000, v10  }
0x3f: {  	v9 =	vadd.s32 v12, v9;
	v12 =	vshll.u32 v13, $0x1;
	vm14 =	vlt.u32 v13, $0x1000  }
0x40: {  	v10 =	vadd.s32 v10, v12;
	v12 =	vand.u32 $0x1FFF, v11;
	v11 =	vand.u32 $0xFFFFE000, v11  }
0x41: {  	v16 =	vld [tilespmem:s16+$0x40];
	v13 =	vshll.u32 v12, $0x1;
	vm1 =	vlt.u32 v12, $0x1000;
	v12 =	vsel vm14, $0x0, v8  }
0x42: {  	v13 =	vadd.s32 v11, v13;
	v15 =	vsel vm1, $0x0, v8;
	v11 =	vadd.s32 v12, v10  }
0x43: {  	v12 =	vand.u32 $0x1FFF, v14;
	v10 =	vadd.s32 v15, v13;
	v13 =	vand.u32 $0xFFFFE000, v14;
	v14 =	vld [tilespmem:s16+$0x50];
	_ =	sdelay $0x1  }
0x44: {  	v15 =	vshll.u32 v12, $0x1;
	vm15 =	vlt.u32 v12, $0x1000  }
0x45: {  	v12 =	vadd.s32 v13, v15;
	v17 =	vsel vm15, $0x0, v8;
	v15 =	vand.u32 $0x1FFF, v16;
	v13 =	vld [tilespmem:s16+$0x60]  }
0x46: {  	s17 =	simm.s32 $0x200;
	v16 =	vand.u32 $0xFFFFE000, v16;
	v12 =	vadd.s32 v17, v12;
	v17 =	vshll.u32 v15, $0x1  }
.LBB2_2:
0x47: {  	p0 =	sne.s32 s17, $0x6200;
	v16 =	vadd.s32 v16, v17;
	vm0 =	vlt.u32 v15, $0x1000;
	v15 =	vand.u32 $0x1FFF, v14;
	v17 =	vld [tilespmem:s16+$0x70]  }
0x48: {  	v14 =	vand.u32 $0xFFFFE000, v14;
	v18 =	vshll.u32 v15, $0x1;
	vm1 =	vlt.u32 v15, $0x1000  }
0x49: {  	s18 =	sshra.s32 s17, $0x2;
	[tilespmem:s16+$0x0] =	vst v9;
	v9 =	vsel vm0, $0x0, v8;
	v14 =	vadd.s32 v14, v18;
	v15 =	vsel vm1, $0x0, v8  }
0x4a: {  	v18 =	vld [tilespmem:s18+$0x0];
	[tilespmem:s16+$0x10] =	vst v11;
	v9 =	vadd.s32 v9, v16;
	v11 =	vadd.s32 v15, v14;
	v14 =	vand.u32 $0x1FFF, v13  }
0x4b: {  	[tilespmem:s16+$0x20] =	vst v10;
	v10 =	vand.u32 $0xFFFFE000, v13;
	v13 =	vshll.u32 v14, $0x1;
	vm0 =	vlt.u32 v14, $0x1000  }
0x4c: {  	v14 =	vld [tilespmem:s18+$0x10];
	[tilespmem:s16+$0x30] =	vst v12;
	v10 =	vadd.s32 v10, v13;
	v12 =	vsel vm0, $0x0, v8;
	v13 =	vand.u32 $0x1FFF, v17  }
0x4d: {  	[tilespmem:s16+$0x40] =	vst v9;
	v9 =	vand.u32 $0xFFFFE000, v17;
	v15 =	vshll.u32 v13, $0x1;
	vm0 =	vlt.u32 v13, $0x1000  }
0x4e: {  	v10 =	vadd.s32 v12, v10;
	v13 =	vld [tilespmem:s18+$0x20];
	[tilespmem:s16+$0x50] =	vst v11;
	v9 =	vadd.s32 v9, v15;
	v11 =	vsel vm0, $0x0, v8  }
0x4f: {  	v12 =	vand.u32 $0x1FFF, v18;
	[tilespmem:s16+$0x60] =	vst v10;
	v9 =	vadd.s32 v11, v9  }
0x50: {  	v10 =	vand.u32 $0xFFFFE000, v18;
	v11 =	vshll.u32 v12, $0x1;
	vm0 =	vlt.u32 v12, $0x1000;
	[tilespmem:s16+$0x70] =	vst v9;
	s16 =	smov.u32 s18  }
0x51: {  	v9 =	vadd.s32 v10, v11;
	v10 =	vsel vm0, $0x0, v8;
	v11 =	vand.u32 $0x1FFF, v14;
	v12 =	vld [tilespmem:s16+$0x30]  }
0x52: {  	v9 =	vadd.s32 v10, v9;
	v10 =	vand.u32 $0xFFFFE000, v14;
	v14 =	vshll.u32 v11, $0x1  }
0x53: {  	vm0 =	vlt.u32 v11, $0x1000;
	v10 =	vadd.s32 v10, v14;
	v11 =	vand.u32 $0x1FFF, v13;
	v16 =	vld [tilespmem:s16+$0x40]  }
0x54: {  	v13 =	vand.u32 $0xFFFFE000, v13;
	v14 =	vshll.u32 v11, $0x1;
	vm1 =	vlt.u32 v11, $0x1000  }
.Ltmp2:
0x55: {  	v11 =	vsel vm0, $0x0, v8;
	v13 =	vadd.s32 v13, v14;
	v15 =	vsel vm1, $0x0, v8;
	v14 =	vld [tilespmem:s16+$0x50];
	(pc) =	sbr.rel @p0 .LBB2_2-.Ltmp2, $4  }
0x56: {  	v11 =	vadd.s32 v11, v10;
	v10 =	vadd.s32 v15, v13;
	v13 =	vand.u32 $0x1FFF, v12  }
0x57: {  	v12 =	vand.u32 $0xFFFFE000, v12;
	v15 =	vshll.u32 v13, $0x1;
	vm0 =	vlt.u32 v13, $0x1000  }
0x58: {  	v12 =	vadd.s32 v12, v15;
	v17 =	vsel vm0, $0x0, v8;
	v15 =	vand.u32 $0x1FFF, v16;
	v13 =	vld [tilespmem:s16+$0x60]  }
0x59: {  	s17 =	sadd.s32 $0x200, s17;
	v16 =	vand.u32 $0xFFFFE000, v16;
	v12 =	vadd.s32 v17, v12;
	v17 =	vshll.u32 v15, $0x1  }
0x5a: {  	v16 =	vadd.s32 v16, v17;
	vm0 =	vlt.u32 v15, $0x1000;
	v56 =	vand.u32 $0x1FFF, v14;
	v57 =	vld [tilespmem:s16+$0x70]  }
0x5b: {  	v58 =	vand.u32 $0xFFFFE000, v14;
	v18 =	vshll.u32 v56, $0x1;
	vm1 =	vlt.u32 v56, $0x1000  }
0x5c: {  	[tilespmem:s16+$0x0] =	vst v9;
	v9 =	vsel vm0, $0x0, v8;
	v14 =	vadd.s32 v58, v18;
	v15 =	vsel vm1, $0x0, v8  }
0x5d: {  	[tilespmem:s16+$0x10] =	vst v11;
	v9 =	vadd.s32 v9, v16;
	v11 =	vadd.s32 v15, v14;
	v59 =	vand.u32 $0x1FFF, v13  }
0x5e: {  	[tilespmem:s16+$0x20] =	vst v10;
	v10 =	vand.u32 $0xFFFFE000, v13;
	v60 =	vshll.u32 v59, $0x1;
	vm14 =	vlt.u32 v59, $0x1000  }
0x5f: {  	[tilespmem:s16+$0x30] =	vst v12;
	v10 =	vadd.s32 v10, v60;
	v61 =	vsel vm14, $0x0, v8;
	v62 =	vand.u32 $0x1FFF, v57  }
0x60: {  	[tilespmem:s16+$0x40] =	vst v9;
	v9 =	vand.u32 $0xFFFFE000, v57;
	v63 =	vshll.u32 v62, $0x1;
	vm15 =	vlt.u32 v62, $0x1000  }
0x61: {  	[tilespmem:s16+$0x50] =	vst v11;
	v10 =	vadd.s32 v61, v10;
	v9 =	vadd.s32 v9, v63;
	v11 =	vsel vm15, $0x0, v8  }
0x62: {  	[tilespmem:s16+$0x60] =	vst v10;
	v9 =	vadd.s32 v11, v9  }
0x63: {  	[tilespmem:s16+$0x70] =	vst v9  }
0x64: {  	[tilespmem:$0x11900] =	vst v0  }
0x65: {  	[tilespmem:$0x11910] =	vst v1  }
0x66: {  	[tilespmem:$0x11920] =	vst v2  }
0x67: {  	[tilespmem:$0x11930] =	vst v3  }
0x68: {  	[tilespmem:$0x11940] =	vst v4  }
0x69: {  	[tilespmem:$0x11950] =	vst v5  }
0x6a: {  	[tilespmem:$0x11960] =	vst v6  }
0x6b: {  	[tilespmem:$0x11970] =	vst v7  }
0x6c: {  	[tilespmem:s12], [sflag:$0x1] =	stream.indirect.gather [hbm4b:s4+s9], $0x40, s9, s9, $0xb8;
	[tilespmem:$0x13980] =	vst v63  }
0x6d: {  	s19 =	simm.s32 $0x100;
	s17 =	simm.s32 $0x3900  }
0x6e: {  	[tilespmem:s17], [sflag:$0x2] =	stream.indirect.gather [hbm4b:s4+s9], $0x40, s19, s9, $0xb8;
	[tilespmem:$0x13980] =	vst v63  }
0x6f: {  	s20 =	simm.s32 $0x180;
	s21 =	simm.s32 $0x5900  }
0x70: {  	[tilespmem:s21], [sflag:$0x3] =	stream.indirect.gather [hbm4b:s4+s9], $0x40, s20, s9, $0xb8;
	[tilespmem:$0x13980] =	vst v63  }
0x71: {  	s18 =	simm.s32 $0x7900;
	s17 =	simm.s32 $0x200  }
0x72: {  	[tilespmem:s18], [sflag:$0x4] =	stream.indirect.gather [hbm4b:s4+s9], $0x40, s17, s9, $0xb8;
	[tilespmem:$0x13980] =	vst v63  }
0x73: {  	s19 =	simm.s32 $0x280;
	s20 =	simm.s32 $0x9900  }
0x74: {  	[tilespmem:s20], [sflag:$0x5] =	stream.indirect.gather [hbm4b:s4+s9], $0x40, s19, s9, $0xb8;
	[tilespmem:$0x13980] =	vst v63  }
0x75: {  	s21 =	simm.s32 $0x300  }
0x76: {  	[tilespmem:s22], [sflag:$0x6] =	stream.indirect.gather [hbm4b:s4+s9], $0x40, s21, s9, $0xb8;
	[tilespmem:$0x13980] =	vst v63  }
0x77: {  	_ = 	snop  }
0x78: {  	[tilespmem:s24], [sflag:$0x7] =	stream.indirect.gather [hbm4b:s4+s9], $0x40, s23, s9, $0xb8;
	[tilespmem:$0x13980] =	vst v63  }
0x79: {  	_ = 	snop  }
0x7a: {  	[tilespmem:s25], [sflag:$0x8] =	stream.indirect.gather [hbm4b:s4+s9], $0x40, s3, s9, $0xb8;
	[tilespmem:$0x13980] =	vst v63  }
0x7b: {  	_ =	swait.ge [sflag:s26], $0x2000  }
0x7c: {  	[sflag:s26] =	ssyncset.done $0x0  }
.Ltmp3:
0x7d: {  	[sflag:s26] =	ssyncadd.s32 $0xFFFFE000;
	(pc) =	sbr.rel .LBB2_4-.Ltmp3, $4  }
0x7e: {  	[spmem:s6] =	stream.linear.scatter [tilespmem:s25], [sflag:$0x11], $0x2000, $0x38;
	[tilespmem:$0x13980] =	vst v63  }
0x7f: {  	_ =	swait.ge [sflag:s11], $0x2000  }
0x80: {  	[sflag:s11] =	ssyncset.done $0x0  }
0x81: {  	s16 =	simm.s32 $0x7;
	s17 =	simm.s32 $0x400;
	[sflag:s11] =	ssyncadd.s32 $0xFFFFE000  }
.LBB2_5:
0x82: {  	s18 =	sadd.s32 $0x9, s19  }
0x83: {  	_ =	swait.ge [sflag:s18], $0x2000  }
0x84: {  	[sflag:s18] =	ssyncset.done $0x0  }
0x85: {  	[sflag:s18] =	ssyncadd.s32 $0xFFFFE000  }
.LBB2_7:
0x86: {  	s18 =	sshll.u32 s19, $0xD  }
0x87: {  	s21 =	sadd.s32 $0x1, s19;
	s18 =	sor.u32 $0x1900, s18  }
0x88: {  	[tilespmem:s18], [sflag:s21] =	stream.indirect.gather [hbm4b:s4+s9], $0x40, s17, s9, $0xb8;
	[tilespmem:$0x13980] =	vst v63  }
.LBB2_8:
0x89: {  	s16 =	sadd.s32 $0x1, s16  }
0x8a: {  	p0 =	sne.s32 s16, $0x38  }
.Ltmp4:
0x8b: {  	_ = 	snop;
	(pc) =	sbr.rel @!p0 .LBB2_9-.Ltmp4, $2  }
0x8c: {  	_ =	sdelay $0x2  }
0x8d: {  	s17 =	sadd.s32 $0x80, s17  }
.LBB2_4:
0x8e: {  	s18 =	sadd.s32 $0xFFFFFFF9, s16  }
0x8f: {  	s19 =	sand.u32 $0x7, s18  }
0x90: {  	s20 =	sadd.s32 $0x1, s19  }
0x91: {  	_ =	swait.ge [sflag:s20], $0x2000  }
0x92: {  	s21 =	sshll.u32 s19, $0xD;
	[sflag:s20] =	ssyncset.done $0x0  }
0x93: {  	s19 =	sadd.s32 $0x9, s19;
	s21 =	sor.u32 $0x1900, s21;
	[sflag:s20] =	ssyncadd.s32 $0xFFFFE000  }
0x94: {  	[spmem:s2] =	stream.indirect.scatter.add.f32 [tilespmem:s21], [sflag:s19], $0x40, s28, s9, $0xb8;
	[tilespmem:$0x13980] =	vst v63  }
0x95: {  	s21 =	sadd.s32 $0xFFFFFFF8, s16  }
0x96: {  	p0 =	sgt.u32 s21, $0x28  }
.Ltmp5:
0x97: {  	_ = 	snop;
	(pc) =	sbr.rel @!p0 .LBB2_5-.Ltmp5, $2  }
0x98: {  	_ =	sdelay $0x2  }
0x99: {  	s19 =	sand.u32 $0x7, s16  }
0x9a: {  	p0 =	sgt.u32 s18, $0x29  }
.Ltmp6:
0x9b: {  	_ = 	snop;
	(pc) =	sbr.rel @p0 .LBB2_8-.Ltmp6, $4  }
.Ltmp7:
0x9c: {  	_ = 	snop;
	(pc) =	sbr.rel @!p0 .LBB2_7-.Ltmp7, $4  }
0x9d: {  	_ = 	snop  }
0x9e: {  	_ = 	snop  }
0x9f: {  	_ = 	snop  }
0xa0: {  	_ = 	snop  }
.LBB2_10:
0xa1: {  	_ =	sfence.sel $0x180000  }
0xa2: {  	[bflag:$0x0] =	sbarrier.arrive $0xFFFF  }
0xa3: {  	_ =	strace $0x90000047  }
0xa4: {  	s0 =	stileid.u32;
	[bflag:$0x2] =	sbarrier.arrive $0xFFFF  }
0xa5: {  	p0 =	sne.s32 s0, $0x0;
	s0 =	rddreg [dreg:$0x3]  }
0xa6: {  	s0 =	sadd.s32 @!p0 $0x100000, s0  }
0xa7: {  	[sflag:s0] =	ssyncadd.tile.s32 @!p0 $0x1;
	_ =	shalt  }
.Lfunc_end2:
_tile_overlayer_lowered:
.L_overlay_start_2:
0xa8: {  	(tag) =	ssettag $0x2  }
0xa9: {  	s0 =	rddreg [dreg:$0x0];
	s2 =	stileid.u32  }
0xaa: {  	s1 =	rddreg [dreg:$0x1];
	p0 =	sne.s32 s2, $0x0  }
0xab: {  	s3 =	rddreg [dreg:$0x2];
	[bflag:$0x3] =	sbarrier.arrive $0xFFFF;
	s2 =	simm.s32 @!p0 $0x1C11  }
0xac: {  	[timem:s3], [sflag:s2] =	dma.local @!p0 [hbm:s0], s1  }
0xad: {  	s0 =	simm.s32 @!p0 $0x11  }
0xae: {  	_ =	swait.ge @!p0 [sflag:s0], s1  }
0xaf: {  	s1 =	ssub.s32 @!p0 $0x0, s1;
	[sflag:s0] =	ssyncset.done @!p0 $0x0  }
0xb0: {  	[sflag:s0] =	ssyncadd.s32 @!p0 s1  }
0xb1: {  	[bflag:$0x3] =	sbarrier.arrive $0xFFFF  }
0xb2: {  	_ =	shalt  }

</sc_bundles>
